<compile_context>
chip_gen: v7x
topology: tpu7x:2x2x1
jax: 0.10.2.dev20260603
libtpu: 0.0.44.dev20260713+nightly
codegen_flags: <defaults>
</compile_context>

<pallas_src>
import jax
import jax.numpy as jnp
from jax import lax
from jax.experimental import pallas as pl
from jax.experimental.pallas import tpu as pltpu
from jax.experimental.pallas import tpu_sc as plsc

_B = 2048
_IN = 4096
_OUT = 8192
_L = 16

_NC = 2
_NS = 16
_NW = _NC * _NS
_ROWS_W = _B // _NW
_RB = 8
_NRB = _ROWS_W // _RB
_C = 1024
_NCH = _OUT // _C
_G = _C // _L

_MT = [
    [0, 0, 0, 0, 0, 0, 0, 0, 1, 1, 1, 1, 1, 1, 1, 1],
    [0, 0, 1, 1, 0, 0, 1, 1, -1, -1, 0, 0, -1, -1, 0, 0],
    [0, 0, 0, 0, 1, 1, 1, 1, -1, -1, -1, -1, 0, 0, 0, 0],
    [0, 1, -1, 0, -1, 0, -2, -1, 1, 2, 0, 1, 0, 1, -1, 0],
]


def _coeff_body(w_ref, mt_ref, ia_ref, ib_ref, out_ref, iab_ref):
    w = w_ref[...]
    m = jnp.max(w, axis=-1, keepdims=True)
    e = jnp.exp(w - m)
    p = e / jnp.sum(e, axis=-1, keepdims=True)
    out_ref[...] = lax.dot_general(
        mt_ref[...], p, (((1,), (1,)), ((), ())),
        preferred_element_type=jnp.float32,
        precision=lax.Precision.HIGHEST,
    )
    iab_ref[...] = ia_ref[...] + (ib_ref[...] << 12)


def _sc_body(x_hbm, iab_hbm, co_hbm,
             out_hbm, xbuf, iabbuf, c0buf, cabuf, cbbuf, cabbuf, obuf,
             xsem, osems):
    wid = lax.axis_index("s") * _NC + lax.axis_index("c")
    r0 = wid * _ROWS_W

    for r in range(_RB):
        pltpu.async_copy(
            x_hbm.at[r0 + r], xbuf.at[pl.ds(r * _IN, _IN)], xsem)
    pltpu.sync_copy(iab_hbm.at[0], iabbuf)
    pltpu.sync_copy(co_hbm.at[0], c0buf)
    pltpu.sync_copy(co_hbm.at[1], cabuf)
    pltpu.sync_copy(co_hbm.at[2], cbbuf)
    pltpu.sync_copy(co_hbm.at[3], cabbuf)

    def rb_body(rb, carry0):
        xslot = lax.rem(rb, 2)
        row = r0 + rb * _RB
        xofs = xslot * (_RB * _IN)
        for r in range(_RB):
            pltpu.make_async_copy(
                x_hbm.at[row + r],
                xbuf.at[pl.ds(xofs + r * _IN, _IN)], xsem).wait()

        @pl.when(rb < _NRB - 1)
        def _():
            nofs = (1 - xslot) * (_RB * _IN)
            for r in range(_RB):
                pltpu.async_copy(
                    x_hbm.at[row + _RB + r],
                    xbuf.at[pl.ds(nofs + r * _IN, _IN)], xsem)

        def jc_body(jc, carry1):
            oslot = lax.rem(jc, 2)
            j0 = jc * _C

            @pl.when(rb * _NCH + jc >= 2)
            def _():
                pltpu.make_async_copy(
                    obuf.at[oslot],
                    out_hbm.at[pl.ds(row, _RB), pl.ds(j0, _C)],
                    osems.at[oslot]).wait()

            @plsc.parallel_loop(0, _G, unroll=1)
            def g_body(g):
                gofs = j0 + g * _L
                iab = iabbuf[pl.ds(gofs, _L)]
                ia = jnp.bitwise_and(iab, 4095)
                ib = jnp.right_shift(iab, 12)
                c0 = c0buf[pl.ds(gofs, _L)]
                ca = cabuf[pl.ds(gofs, _L)]
                cb = cbbuf[pl.ds(gofs, _L)]
                cab = cabbuf[pl.ds(gofs, _L)]
                for r in range(_RB):
                    xrow = xbuf.at[pl.ds(xofs + r * _IN, _IN)]
                    av = plsc.load_gather(xrow, [ia])
                    bv = plsc.load_gather(xrow, [ib])
                    o = c0 + ca * av + cb * bv + cab * (av * bv)
                    obuf[oslot, r, pl.ds(g * _L, _L)] = o

            pltpu.async_copy(
                obuf.at[oslot],
                out_hbm.at[pl.ds(row, _RB), pl.ds(j0, _C)],
                osems.at[oslot])
            return carry1

        lax.fori_loop(0, _NCH, jc_body, 0)
        return carry0

    lax.fori_loop(0, _NRB, rb_body, 0)

    for oslot in range(2):
        pltpu.make_async_copy(
            obuf.at[oslot],
            out_hbm.at[pl.ds(r0, _RB), pl.ds(0, _C)],
            osems.at[oslot]).wait()


def kernel(x, weights, idx_a, idx_b):
    coeffs, iab = pl.pallas_call(
        _coeff_body,
        out_shape=[
            jax.ShapeDtypeStruct((4, _OUT), jnp.float32),
            jax.ShapeDtypeStruct((1, _OUT), jnp.int32),
        ],
    )(weights, jnp.asarray(_MT, dtype=jnp.float32),
      idx_a.reshape(1, _OUT), idx_b.reshape(1, _OUT))
    sc = pl.kernel(
        _sc_body,
        out_type=jax.ShapeDtypeStruct((_B, _OUT), jnp.float32),
        mesh=plsc.VectorSubcoreMesh(core_axis_name="c", subcore_axis_name="s"),
        compiler_params=pltpu.CompilerParams(needs_layout_passes=False),
        scratch_types=[
            pltpu.VMEM((2 * _RB * _IN,), jnp.float32),
            pltpu.VMEM((_OUT,), jnp.int32),
            pltpu.VMEM((_OUT,), jnp.float32),
            pltpu.VMEM((_OUT,), jnp.float32),
            pltpu.VMEM((_OUT,), jnp.float32),
            pltpu.VMEM((_OUT,), jnp.float32),
            pltpu.VMEM((2, _RB, _C), jnp.float32),
            pltpu.SemaphoreType.DMA,
            pltpu.SemaphoreType.DMA((2,)),
        ],
    )
    return sc(x, iab, coeffs)

# --- scband reference (transcript-rebuilt; emitter-appended) ---
"""Pipeline reference for scband-logic-layer-20847771255191 (READ-ONLY COPY).

The authoritative reference and input builder live on the scoring server;
editing this copy changes nothing except your own understanding.
"""

import jax, jax.numpy as jnp
import numpy as np

B = 2048
IN_DIM = 4096
OUT_DIM = 8192

def setup_inputs(seed: int = 0) -> dict:
    key = jax.random.key(seed)
    k1, k2, k3, k4 = jax.random.split(key, 4)
    x = jax.random.uniform(k1, (B, IN_DIM), dtype=jnp.float32)
    # learned per-neuron logits over the 16 binary logic ops
    weights = jax.random.normal(k2, (OUT_DIM, 16), dtype=jnp.float32)
    # random connections: two input indices per output neuron (constants, set at init)
    idx_a = jax.random.randint(k3, (OUT_DIM,), 0, IN_DIM, dtype=jnp.int32)
    idx_b = jax.random.randint(k4, (OUT_DIM,), 0, IN_DIM, dtype=jnp.int32)
    return {"x": x, "weights": weights, "idx_a": idx_a, "idx_b": idx_b}


def _bin_op_s(a, b, w):
    # soft mixture over the 16 two-input logic gates (difflogic bin_op_s)
    ab = a * b
    s = a + b
    out = (
        w[..., 1] * ab
        + w[..., 2] * (a - ab)
        + w[..., 3] * a
        + w[..., 4] * (b - ab)
        + w[..., 5] * b
        + w[..., 6] * (s - 2.0 * ab)
        + w[..., 7] * (s - ab)
        + w[..., 8] * (1.0 - (s - ab))
        + w[..., 9] * (1.0 - (s - 2.0 * ab))
        + w[..., 10] * (1.0 - b)
        + w[..., 11] * (1.0 - b + ab)
        + w[..., 12] * (1.0 - a)
        + w[..., 13] * (1.0 - a + ab)
        + w[..., 14] * (1.0 - ab)
        + w[..., 15]
    )
    return out


def reference(x, weights, idx_a, idx_b):
    # forward_python, training mode: softmax over gate logits
    a = jnp.take(x, idx_a, axis=-1)
    b = jnp.take(x, idx_b, axis=-1)
    w = jax.nn.softmax(weights, axis=-1)
    return _bin_op_s(a, b, w)

if __name__ == "__main__":
    import jax
    _d = setup_inputs()
    print(jax.jit(kernel)(*tuple(_d.values())))

</pallas_src>

<mosaic_0001>
#map = affine_map<(d0, d1) -> (0, 0)>
module attributes {stable_mosaic.version = 14 : i64} {
  func.func @_sc_body(%arg0: i32, %arg1: i32, %arg2: memref<2048x4096xf32, #tpu.memory_space<hbm>>, %arg3: memref<1x8192xi32, #tpu.memory_space<hbm>>, %arg4: memref<4x8192xf32, #tpu.memory_space<hbm>>, %arg5: memref<2048x8192xf32, #tpu.memory_space<hbm>>, %arg6: memref<65536xf32, #tpu.memory_space<vmem>>, %arg7: memref<8192xi32, #tpu.memory_space<vmem>>, %arg8: memref<8192xf32, #tpu.memory_space<vmem>>, %arg9: memref<8192xf32, #tpu.memory_space<vmem>>, %arg10: memref<8192xf32, #tpu.memory_space<vmem>>, %arg11: memref<8192xf32, #tpu.memory_space<vmem>>, %arg12: memref<2x8x1024xf32, #tpu.memory_space<vmem>>, %arg13: memref<!tpu.dma_semaphore, #tpu.memory_space<semaphore_mem>>, %arg14: memref<2x!tpu.dma_semaphore, #tpu.memory_space<semaphore_mem>>) attributes {dimension_semantics = [#tpu.dimension_semantics<core_parallel>, #tpu.dimension_semantics<subcore_parallel>], iteration_bounds = array<i64: 2, 16>, scalar_prefetch = 0 : i64, scratch_operands = 9 : i64, tpu.core_type = #tpu.core_type<sc_vector_subcore>, window_params = [{transform_indices = #map}, {transform_indices = #map}, {transform_indices = #map}, {transform_indices = #map}]} {
    %mul3A = arith.constant 2 : i32
    %mul3A_0 = arith.muli %arg1, %mul3A : i32
    %add3A = arith.addi %mul3A_0, %arg0 : i32
    %mul3A_1 = arith.constant 64 : i32
    %mul3A_2 = arith.muli %add3A, %mul3A_1 : i32
    %add3A_3 = arith.constant 0 : i32
    %add3A_4 = arith.addi %mul3A_2, %add3A_3 : i32
    %dma_start3A = arith.constant 0 : i32
    %dma_start3A_5 = tpu.memref_slice %arg6[%dma_start3A] : memref<65536xf32, #tpu.memory_space<vmem>> -> memref<4096xf32, #tpu.memory_space<vmem>>
    %dma_start3A_6 = arith.constant 0 : i32
    %dma_start3A_7 = tpu.memref_slice %arg2[%add3A_4, %dma_start3A_6] : memref<2048x4096xf32, #tpu.memory_space<hbm>> -> memref<1x4096xf32, #tpu.memory_space<hbm>>
    %dma_start3A_8 = tpu.memref_squeeze %dma_start3A_7 : memref<1x4096xf32, #tpu.memory_space<hbm>> -> memref<4096xf32, #tpu.memory_space<hbm>>
    %dma_start3A_9 = arith.constant 0 : i32
    %dma_start3A_10 = tpu.memref_slice %arg6[%dma_start3A_9] : memref<65536xf32, #tpu.memory_space<vmem>> -> memref<4096xf32, #tpu.memory_space<vmem>>
    %dma_start3A_11 = arith.constant 0 : i32
    %dma_start3A_12 = tpu.memref_slice %arg2[%add3A_4, %dma_start3A_11] : memref<2048x4096xf32, #tpu.memory_space<hbm>> -> memref<1x4096xf32, #tpu.memory_space<hbm>>
    %dma_start3A_13 = tpu.memref_squeeze %dma_start3A_12 : memref<1x4096xf32, #tpu.memory_space<hbm>> -> memref<4096xf32, #tpu.memory_space<hbm>>
    tpu.enqueue_dma source(%dma_start3A_13 : memref<4096xf32, #tpu.memory_space<hbm>>) target(%dma_start3A_10 : memref<4096xf32, #tpu.memory_space<vmem>>) target_semaphore(%arg13 : memref<!tpu.dma_semaphore, #tpu.memory_space<semaphore_mem>>)
    %add3A_14 = arith.constant 1 : i32
    %add3A_15 = arith.addi %mul3A_2, %add3A_14 : i32
    %dma_start3A_16 = arith.constant 4096 : i32
    %dma_start3A_17 = tpu.memref_slice %arg6[%dma_start3A_16] : memref<65536xf32, #tpu.memory_space<vmem>> -> memref<4096xf32, #tpu.memory_space<vmem>>
    %dma_start3A_18 = arith.constant 0 : i32
    %dma_start3A_19 = tpu.memref_slice %arg2[%add3A_15, %dma_start3A_18] : memref<2048x4096xf32, #tpu.memory_space<hbm>> -> memref<1x4096xf32, #tpu.memory_space<hbm>>
    %dma_start3A_20 = tpu.memref_squeeze %dma_start3A_19 : memref<1x4096xf32, #tpu.memory_space<hbm>> -> memref<4096xf32, #tpu.memory_space<hbm>>
    %dma_start3A_21 = arith.constant 4096 : i32
    %dma_start3A_22 = tpu.memref_slice %arg6[%dma_start3A_21] : memref<65536xf32, #tpu.memory_space<vmem>> -> memref<4096xf32, #tpu.memory_space<vmem>>
    %dma_start3A_23 = arith.constant 0 : i32
    %dma_start3A_24 = tpu.memref_slice %arg2[%add3A_15, %dma_start3A_23] : memref<2048x4096xf32, #tpu.memory_space<hbm>> -> memref<1x4096xf32, #tpu.memory_space<hbm>>
    %dma_start3A_25 = tpu.memref_squeeze %dma_start3A_24 : memref<1x4096xf32, #tpu.memory_space<hbm>> -> memref<4096xf32, #tpu.memory_space<hbm>>
    tpu.enqueue_dma source(%dma_start3A_25 : memref<4096xf32, #tpu.memory_space<hbm>>) target(%dma_start3A_22 : memref<4096xf32, #tpu.memory_space<vmem>>) target_semaphore(%arg13 : memref<!tpu.dma_semaphore, #tpu.memory_space<semaphore_mem>>)
    %add3A_26 = arith.constant 2 : i32
    %add3A_27 = arith.addi %mul3A_2, %add3A_26 : i32
    %dma_start3A_28 = arith.constant 8192 : i32
    %dma_start3A_29 = tpu.memref_slice %arg6[%dma_start3A_28] : memref<65536xf32, #tpu.memory_space<vmem>> -> memref<4096xf32, #tpu.memory_space<vmem>>
    %dma_start3A_30 = arith.constant 0 : i32
    %dma_start3A_31 = tpu.memref_slice %arg2[%add3A_27, %dma_start3A_30] : memref<2048x4096xf32, #tpu.memory_space<hbm>> -> memref<1x4096xf32, #tpu.memory_space<hbm>>
    %dma_start3A_32 = tpu.memref_squeeze %dma_start3A_31 : memref<1x4096xf32, #tpu.memory_space<hbm>> -> memref<4096xf32, #tpu.memory_space<hbm>>
    %dma_start3A_33 = arith.constant 8192 : i32
    %dma_start3A_34 = tpu.memref_slice %arg6[%dma_start3A_33] : memref<65536xf32, #tpu.memory_space<vmem>> -> memref<4096xf32, #tpu.memory_space<vmem>>
    %dma_start3A_35 = arith.constant 0 : i32
    %dma_start3A_36 = tpu.memref_slice %arg2[%add3A_27, %dma_start3A_35] : memref<2048x4096xf32, #tpu.memory_space<hbm>> -> memref<1x4096xf32, #tpu.memory_space<hbm>>
    %dma_start3A_37 = tpu.memref_squeeze %dma_start3A_36 : memref<1x4096xf32, #tpu.memory_space<hbm>> -> memref<4096xf32, #tpu.memory_space<hbm>>
    tpu.enqueue_dma source(%dma_start3A_37 : memref<4096xf32, #tpu.memory_space<hbm>>) target(%dma_start3A_34 : memref<4096xf32, #tpu.memory_space<vmem>>) target_semaphore(%arg13 : memref<!tpu.dma_semaphore, #tpu.memory_space<semaphore_mem>>)
    %add3A_38 = arith.constant 3 : i32
    %add3A_39 = arith.addi %mul3A_2, %add3A_38 : i32
    %dma_start3A_40 = arith.constant 12288 : i32
    %dma_start3A_41 = tpu.memref_slice %arg6[%dma_start3A_40] : memref<65536xf32, #tpu.memory_space<vmem>> -> memref<4096xf32, #tpu.memory_space<vmem>>
    %dma_start3A_42 = arith.constant 0 : i32
    %dma_start3A_43 = tpu.memref_slice %arg2[%add3A_39, %dma_start3A_42] : memref<2048x4096xf32, #tpu.memory_space<hbm>> -> memref<1x4096xf32, #tpu.memory_space<hbm>>
    %dma_start3A_44 = tpu.memref_squeeze %dma_start3A_43 : memref<1x4096xf32, #tpu.memory_space<hbm>> -> memref<4096xf32, #tpu.memory_space<hbm>>
    %dma_start3A_45 = arith.constant 12288 : i32
    %dma_start3A_46 = tpu.memref_slice %arg6[%dma_start3A_45] : memref<65536xf32, #tpu.memory_space<vmem>> -> memref<4096xf32, #tpu.memory_space<vmem>>
    %dma_start3A_47 = arith.constant 0 : i32
    %dma_start3A_48 = tpu.memref_slice %arg2[%add3A_39, %dma_start3A_47] : memref<2048x4096xf32, #tpu.memory_space<hbm>> -> memref<1x4096xf32, #tpu.memory_space<hbm>>
    %dma_start3A_49 = tpu.memref_squeeze %dma_start3A_48 : memref<1x4096xf32, #tpu.memory_space<hbm>> -> memref<4096xf32, #tpu.memory_space<hbm>>
    tpu.enqueue_dma source(%dma_start3A_49 : memref<4096xf32, #tpu.memory_space<hbm>>) target(%dma_start3A_46 : memref<4096xf32, #tpu.memory_space<vmem>>) target_semaphore(%arg13 : memref<!tpu.dma_semaphore, #tpu.memory_space<semaphore_mem>>)
    %add3A_50 = arith.constant 4 : i32
    %add3A_51 = arith.addi %mul3A_2, %add3A_50 : i32
    %dma_start3A_52 = arith.constant 16384 : i32
    %dma_start3A_53 = tpu.memref_slice %arg6[%dma_start3A_52] : memref<65536xf32, #tpu.memory_space<vmem>> -> memref<4096xf32, #tpu.memory_space<vmem>>
    %dma_start3A_54 = arith.constant 0 : i32
    %dma_start3A_55 = tpu.memref_slice %arg2[%add3A_51, %dma_start3A_54] : memref<2048x4096xf32, #tpu.memory_space<hbm>> -> memref<1x4096xf32, #tpu.memory_space<hbm>>
    %dma_start3A_56 = tpu.memref_squeeze %dma_start3A_55 : memref<1x4096xf32, #tpu.memory_space<hbm>> -> memref<4096xf32, #tpu.memory_space<hbm>>
    %dma_start3A_57 = arith.constant 16384 : i32
    %dma_start3A_58 = tpu.memref_slice %arg6[%dma_start3A_57] : memref<65536xf32, #tpu.memory_space<vmem>> -> memref<4096xf32, #tpu.memory_space<vmem>>
    %dma_start3A_59 = arith.constant 0 : i32
    %dma_start3A_60 = tpu.memref_slice %arg2[%add3A_51, %dma_start3A_59] : memref<2048x4096xf32, #tpu.memory_space<hbm>> -> memref<1x4096xf32, #tpu.memory_space<hbm>>
    %dma_start3A_61 = tpu.memref_squeeze %dma_start3A_60 : memref<1x4096xf32, #tpu.memory_space<hbm>> -> memref<4096xf32, #tpu.memory_space<hbm>>
    tpu.enqueue_dma source(%dma_start3A_61 : memref<4096xf32, #tpu.memory_space<hbm>>) target(%dma_start3A_58 : memref<4096xf32, #tpu.memory_space<vmem>>) target_semaphore(%arg13 : memref<!tpu.dma_semaphore, #tpu.memory_space<semaphore_mem>>)
    %add3A_62 = arith.constant 5 : i32
    %add3A_63 = arith.addi %mul3A_2, %add3A_62 : i32
    %dma_start3A_64 = arith.constant 20480 : i32
    %dma_start3A_65 = tpu.memref_slice %arg6[%dma_start3A_64] : memref<65536xf32, #tpu.memory_space<vmem>> -> memref<4096xf32, #tpu.memory_space<vmem>>
    %dma_start3A_66 = arith.constant 0 : i32
    %dma_start3A_67 = tpu.memref_slice %arg2[%add3A_63, %dma_start3A_66] : memref<2048x4096xf32, #tpu.memory_space<hbm>> -> memref<1x4096xf32, #tpu.memory_space<hbm>>
    %dma_start3A_68 = tpu.memref_squeeze %dma_start3A_67 : memref<1x4096xf32, #tpu.memory_space<hbm>> -> memref<4096xf32, #tpu.memory_space<hbm>>
    %dma_start3A_69 = arith.constant 20480 : i32
    %dma_start3A_70 = tpu.memref_slice %arg6[%dma_start3A_69] : memref<65536xf32, #tpu.memory_space<vmem>> -> memref<4096xf32, #tpu.memory_space<vmem>>
    %dma_start3A_71 = arith.constant 0 : i32
    %dma_start3A_72 = tpu.memref_slice %arg2[%add3A_63, %dma_start3A_71] : memref<2048x4096xf32, #tpu.memory_space<hbm>> -> memref<1x4096xf32, #tpu.memory_space<hbm>>
    %dma_start3A_73 = tpu.memref_squeeze %dma_start3A_72 : memref<1x4096xf32, #tpu.memory_space<hbm>> -> memref<4096xf32, #tpu.memory_space<hbm>>
    tpu.enqueue_dma source(%dma_start3A_73 : memref<4096xf32, #tpu.memory_space<hbm>>) target(%dma_start3A_70 : memref<4096xf32, #tpu.memory_space<vmem>>) target_semaphore(%arg13 : memref<!tpu.dma_semaphore, #tpu.memory_space<semaphore_mem>>)
    %add3A_74 = arith.constant 6 : i32
    %add3A_75 = arith.addi %mul3A_2, %add3A_74 : i32
    %dma_start3A_76 = arith.constant 24576 : i32
    %dma_start3A_77 = tpu.memref_slice %arg6[%dma_start3A_76] : memref<65536xf32, #tpu.memory_space<vmem>> -> memref<4096xf32, #tpu.memory_space<vmem>>
    %dma_start3A_78 = arith.constant 0 : i32
    %dma_start3A_79 = tpu.memref_slice %arg2[%add3A_75, %dma_start3A_78] : memref<2048x4096xf32, #tpu.memory_space<hbm>> -> memref<1x4096xf32, #tpu.memory_space<hbm>>
    %dma_start3A_80 = tpu.memref_squeeze %dma_start3A_79 : memref<1x4096xf32, #tpu.memory_space<hbm>> -> memref<4096xf32, #tpu.memory_space<hbm>>
    %dma_start3A_81 = arith.constant 24576 : i32
    %dma_start3A_82 = tpu.memref_slice %arg6[%dma_start3A_81] : memref<65536xf32, #tpu.memory_space<vmem>> -> memref<4096xf32, #tpu.memory_space<vmem>>
    %dma_start3A_83 = arith.constant 0 : i32
    %dma_start3A_84 = tpu.memref_slice %arg2[%add3A_75, %dma_start3A_83] : memref<2048x4096xf32, #tpu.memory_space<hbm>> -> memref<1x4096xf32, #tpu.memory_space<hbm>>
    %dma_start3A_85 = tpu.memref_squeeze %dma_start3A_84 : memref<1x4096xf32, #tpu.memory_space<hbm>> -> memref<4096xf32, #tpu.memory_space<hbm>>
    tpu.enqueue_dma source(%dma_start3A_85 : memref<4096xf32, #tpu.memory_space<hbm>>) target(%dma_start3A_82 : memref<4096xf32, #tpu.memory_space<vmem>>) target_semaphore(%arg13 : memref<!tpu.dma_semaphore, #tpu.memory_space<semaphore_mem>>)
    %add3A_86 = arith.constant 7 : i32
    %add3A_87 = arith.addi %mul3A_2, %add3A_86 : i32
    %dma_start3A_88 = arith.constant 28672 : i32
    %dma_start3A_89 = tpu.memref_slice %arg6[%dma_start3A_88] : memref<65536xf32, #tpu.memory_space<vmem>> -> memref<4096xf32, #tpu.memory_space<vmem>>
    %dma_start3A_90 = arith.constant 0 : i32
    %dma_start3A_91 = tpu.memref_slice %arg2[%add3A_87, %dma_start3A_90] : memref<2048x4096xf32, #tpu.memory_space<hbm>> -> memref<1x4096xf32, #tpu.memory_space<hbm>>
    %dma_start3A_92 = tpu.memref_squeeze %dma_start3A_91 : memref<1x4096xf32, #tpu.memory_space<hbm>> -> memref<4096xf32, #tpu.memory_space<hbm>>
    %dma_start3A_93 = arith.constant 28672 : i32
    %dma_start3A_94 = tpu.memref_slice %arg6[%dma_start3A_93] : memref<65536xf32, #tpu.memory_space<vmem>> -> memref<4096xf32, #tpu.memory_space<vmem>>
    %dma_start3A_95 = arith.constant 0 : i32
    %dma_start3A_96 = tpu.memref_slice %arg2[%add3A_87, %dma_start3A_95] : memref<2048x4096xf32, #tpu.memory_space<hbm>> -> memref<1x4096xf32, #tpu.memory_space<hbm>>
    %dma_start3A_97 = tpu.memref_squeeze %dma_start3A_96 : memref<1x4096xf32, #tpu.memory_space<hbm>> -> memref<4096xf32, #tpu.memory_space<hbm>>
    tpu.enqueue_dma source(%dma_start3A_97 : memref<4096xf32, #tpu.memory_space<hbm>>) target(%dma_start3A_94 : memref<4096xf32, #tpu.memory_space<vmem>>) target_semaphore(%arg13 : memref<!tpu.dma_semaphore, #tpu.memory_space<semaphore_mem>>)
    %run_scoped3A = arith.constant 0 : i32
    "tpu.region"() ({
      %run_scoped3A_138 = tpu.sem_alloc : memref<!tpu.dma_semaphore, #tpu.memory_space<semaphore_mem>>
      %dma_start3A_139 = arith.constant 0 : i32
      %dma_start3A_140 = tpu.memref_slice %arg3[%run_scoped3A, %dma_start3A_139] : memref<1x8192xi32, #tpu.memory_space<hbm>> -> memref<1x8192xi32, #tpu.memory_space<hbm>>
      %dma_start3A_141 = tpu.memref_squeeze %dma_start3A_140 : memref<1x8192xi32, #tpu.memory_space<hbm>> -> memref<8192xi32, #tpu.memory_space<hbm>>
      %dma_start3A_142 = arith.constant 0 : i32
      %dma_start3A_143 = tpu.memref_slice %arg3[%run_scoped3A, %dma_start3A_142] : memref<1x8192xi32, #tpu.memory_space<hbm>> -> memref<1x8192xi32, #tpu.memory_space<hbm>>
      %dma_start3A_144 = tpu.memref_squeeze %dma_start3A_143 : memref<1x8192xi32, #tpu.memory_space<hbm>> -> memref<8192xi32, #tpu.memory_space<hbm>>
      tpu.enqueue_dma source(%dma_start3A_144 : memref<8192xi32, #tpu.memory_space<hbm>>) target(%arg7 : memref<8192xi32, #tpu.memory_space<vmem>>) target_semaphore(%run_scoped3A_138 : memref<!tpu.dma_semaphore, #tpu.memory_space<semaphore_mem>>)
      %dma_wait3A_145 = arith.constant 0 : i32
      %dma_wait3A_146 = tpu.memref_slice %arg3[%run_scoped3A, %dma_wait3A_145] : memref<1x8192xi32, #tpu.memory_space<hbm>> -> memref<1x8192xi32, #tpu.memory_space<hbm>>
      %dma_wait3A_147 = tpu.memref_squeeze %dma_wait3A_146 : memref<1x8192xi32, #tpu.memory_space<hbm>> -> memref<8192xi32, #tpu.memory_space<hbm>>
      %dma_wait3A_148 = arith.constant 0 : i32
      %dma_wait3A_149 = tpu.memref_slice %arg3[%run_scoped3A, %dma_wait3A_148] : memref<1x8192xi32, #tpu.memory_space<hbm>> -> memref<1x8192xi32, #tpu.memory_space<hbm>>
      %dma_wait3A_150 = tpu.memref_squeeze %dma_wait3A_149 : memref<1x8192xi32, #tpu.memory_space<hbm>> -> memref<8192xi32, #tpu.memory_space<hbm>>
      tpu.wait_dma2 semaphore(%run_scoped3A_138 : memref<!tpu.dma_semaphore, #tpu.memory_space<semaphore_mem>>) src(%dma_wait3A_150 : memref<8192xi32, #tpu.memory_space<hbm>>) dst(%arg7 : memref<8192xi32, #tpu.memory_space<vmem>>)
      tpu.yield
    }) : () -> ()
    %run_scoped3A_98 = arith.constant 0 : i32
    "tpu.region"() ({
      %run_scoped3A_138 = tpu.sem_alloc : memref<!tpu.dma_semaphore, #tpu.memory_space<semaphore_mem>>
      %dma_start3A_139 = arith.constant 0 : i32
      %dma_start3A_140 = tpu.memref_slice %arg4[%run_scoped3A_98, %dma_start3A_139] : memref<4x8192xf32, #tpu.memory_space<hbm>> -> memref<1x8192xf32, #tpu.memory_space<hbm>>
      %dma_start3A_141 = tpu.memref_squeeze %dma_start3A_140 : memref<1x8192xf32, #tpu.memory_space<hbm>> -> memref<8192xf32, #tpu.memory_space<hbm>>
      %dma_start3A_142 = arith.constant 0 : i32
      %dma_start3A_143 = tpu.memref_slice %arg4[%run_scoped3A_98, %dma_start3A_142] : memref<4x8192xf32, #tpu.memory_space<hbm>> -> memref<1x8192xf32, #tpu.memory_space<hbm>>
      %dma_start3A_144 = tpu.memref_squeeze %dma_start3A_143 : memref<1x8192xf32, #tpu.memory_space<hbm>> -> memref<8192xf32, #tpu.memory_space<hbm>>
      tpu.enqueue_dma source(%dma_start3A_144 : memref<8192xf32, #tpu.memory_space<hbm>>) target(%arg8 : memref<8192xf32, #tpu.memory_space<vmem>>) target_semaphore(%run_scoped3A_138 : memref<!tpu.dma_semaphore, #tpu.memory_space<semaphore_mem>>)
      %dma_wait3A_145 = arith.constant 0 : i32
      %dma_wait3A_146 = tpu.memref_slice %arg4[%run_scoped3A_98, %dma_wait3A_145] : memref<4x8192xf32, #tpu.memory_space<hbm>> -> memref<1x8192xf32, #tpu.memory_space<hbm>>
      %dma_wait3A_147 = tpu.memref_squeeze %dma_wait3A_146 : memref<1x8192xf32, #tpu.memory_space<hbm>> -> memref<8192xf32, #tpu.memory_space<hbm>>
      %dma_wait3A_148 = arith.constant 0 : i32
      %dma_wait3A_149 = tpu.memref_slice %arg4[%run_scoped3A_98, %dma_wait3A_148] : memref<4x8192xf32, #tpu.memory_space<hbm>> -> memref<1x8192xf32, #tpu.memory_space<hbm>>
      %dma_wait3A_150 = tpu.memref_squeeze %dma_wait3A_149 : memref<1x8192xf32, #tpu.memory_space<hbm>> -> memref<8192xf32, #tpu.memory_space<hbm>>
      tpu.wait_dma2 semaphore(%run_scoped3A_138 : memref<!tpu.dma_semaphore, #tpu.memory_space<semaphore_mem>>) src(%dma_wait3A_150 : memref<8192xf32, #tpu.memory_space<hbm>>) dst(%arg8 : memref<8192xf32, #tpu.memory_space<vmem>>)
      tpu.yield
    }) : () -> ()
    %run_scoped3A_99 = arith.constant 1 : i32
    "tpu.region"() ({
      %run_scoped3A_138 = tpu.sem_alloc : memref<!tpu.dma_semaphore, #tpu.memory_space<semaphore_mem>>
      %dma_start3A_139 = arith.constant 0 : i32
      %dma_start3A_140 = tpu.memref_slice %arg4[%run_scoped3A_99, %dma_start3A_139] : memref<4x8192xf32, #tpu.memory_space<hbm>> -> memref<1x8192xf32, #tpu.memory_space<hbm>>
      %dma_start3A_141 = tpu.memref_squeeze %dma_start3A_140 : memref<1x8192xf32, #tpu.memory_space<hbm>> -> memref<8192xf32, #tpu.memory_space<hbm>>
      %dma_start3A_142 = arith.constant 0 : i32
      %dma_start3A_143 = tpu.memref_slice %arg4[%run_scoped3A_99, %dma_start3A_142] : memref<4x8192xf32, #tpu.memory_space<hbm>> -> memref<1x8192xf32, #tpu.memory_space<hbm>>
      %dma_start3A_144 = tpu.memref_squeeze %dma_start3A_143 : memref<1x8192xf32, #tpu.memory_space<hbm>> -> memref<8192xf32, #tpu.memory_space<hbm>>
      tpu.enqueue_dma source(%dma_start3A_144 : memref<8192xf32, #tpu.memory_space<hbm>>) target(%arg9 : memref<8192xf32, #tpu.memory_space<vmem>>) target_semaphore(%run_scoped3A_138 : memref<!tpu.dma_semaphore, #tpu.memory_space<semaphore_mem>>)
      %dma_wait3A_145 = arith.constant 0 : i32
      %dma_wait3A_146 = tpu.memref_slice %arg4[%run_scoped3A_99, %dma_wait3A_145] : memref<4x8192xf32, #tpu.memory_space<hbm>> -> memref<1x8192xf32, #tpu.memory_space<hbm>>
      %dma_wait3A_147 = tpu.memref_squeeze %dma_wait3A_146 : memref<1x8192xf32, #tpu.memory_space<hbm>> -> memref<8192xf32, #tpu.memory_space<hbm>>
      %dma_wait3A_148 = arith.constant 0 : i32
      %dma_wait3A_149 = tpu.memref_slice %arg4[%run_scoped3A_99, %dma_wait3A_148] : memref<4x8192xf32, #tpu.memory_space<hbm>> -> memref<1x8192xf32, #tpu.memory_space<hbm>>
      %dma_wait3A_150 = tpu.memref_squeeze %dma_wait3A_149 : memref<1x8192xf32, #tpu.memory_space<hbm>> -> memref<8192xf32, #tpu.memory_space<hbm>>
      tpu.wait_dma2 semaphore(%run_scoped3A_138 : memref<!tpu.dma_semaphore, #tpu.memory_space<semaphore_mem>>) src(%dma_wait3A_150 : memref<8192xf32, #tpu.memory_space<hbm>>) dst(%arg9 : memref<8192xf32, #tpu.memory_space<vmem>>)
      tpu.yield
    }) : () -> ()
    %run_scoped3A_100 = arith.constant 2 : i32
    "tpu.region"() ({
      %run_scoped3A_138 = tpu.sem_alloc : memref<!tpu.dma_semaphore, #tpu.memory_space<semaphore_mem>>
      %dma_start3A_139 = arith.constant 0 : i32
      %dma_start3A_140 = tpu.memref_slice %arg4[%run_scoped3A_100, %dma_start3A_139] : memref<4x8192xf32, #tpu.memory_space<hbm>> -> memref<1x8192xf32, #tpu.memory_space<hbm>>
      %dma_start3A_141 = tpu.memref_squeeze %dma_start3A_140 : memref<1x8192xf32, #tpu.memory_space<hbm>> -> memref<8192xf32, #tpu.memory_space<hbm>>
      %dma_start3A_142 = arith.constant 0 : i32
      %dma_start3A_143 = tpu.memref_slice %arg4[%run_scoped3A_100, %dma_start3A_142] : memref<4x8192xf32, #tpu.memory_space<hbm>> -> memref<1x8192xf32, #tpu.memory_space<hbm>>
      %dma_start3A_144 = tpu.memref_squeeze %dma_start3A_143 : memref<1x8192xf32, #tpu.memory_space<hbm>> -> memref<8192xf32, #tpu.memory_space<hbm>>
      tpu.enqueue_dma source(%dma_start3A_144 : memref<8192xf32, #tpu.memory_space<hbm>>) target(%arg10 : memref<8192xf32, #tpu.memory_space<vmem>>) target_semaphore(%run_scoped3A_138 : memref<!tpu.dma_semaphore, #tpu.memory_space<semaphore_mem>>)
      %dma_wait3A_145 = arith.constant 0 : i32
      %dma_wait3A_146 = tpu.memref_slice %arg4[%run_scoped3A_100, %dma_wait3A_145] : memref<4x8192xf32, #tpu.memory_space<hbm>> -> memref<1x8192xf32, #tpu.memory_space<hbm>>
      %dma_wait3A_147 = tpu.memref_squeeze %dma_wait3A_146 : memref<1x8192xf32, #tpu.memory_space<hbm>> -> memref<8192xf32, #tpu.memory_space<hbm>>
      %dma_wait3A_148 = arith.constant 0 : i32
      %dma_wait3A_149 = tpu.memref_slice %arg4[%run_scoped3A_100, %dma_wait3A_148] : memref<4x8192xf32, #tpu.memory_space<hbm>> -> memref<1x8192xf32, #tpu.memory_space<hbm>>
      %dma_wait3A_150 = tpu.memref_squeeze %dma_wait3A_149 : memref<1x8192xf32, #tpu.memory_space<hbm>> -> memref<8192xf32, #tpu.memory_space<hbm>>
      tpu.wait_dma2 semaphore(%run_scoped3A_138 : memref<!tpu.dma_semaphore, #tpu.memory_space<semaphore_mem>>) src(%dma_wait3A_150 : memref<8192xf32, #tpu.memory_space<hbm>>) dst(%arg10 : memref<8192xf32, #tpu.memory_space<vmem>>)
      tpu.yield
    }) : () -> ()
    %run_scoped3A_101 = arith.constant 3 : i32
    "tpu.region"() ({
      %run_scoped3A_138 = tpu.sem_alloc : memref<!tpu.dma_semaphore, #tpu.memory_space<semaphore_mem>>
      %dma_start3A_139 = arith.constant 0 : i32
      %dma_start3A_140 = tpu.memref_slice %arg4[%run_scoped3A_101, %dma_start3A_139] : memref<4x8192xf32, #tpu.memory_space<hbm>> -> memref<1x8192xf32, #tpu.memory_space<hbm>>
      %dma_start3A_141 = tpu.memref_squeeze %dma_start3A_140 : memref<1x8192xf32, #tpu.memory_space<hbm>> -> memref<8192xf32, #tpu.memory_space<hbm>>
      %dma_start3A_142 = arith.constant 0 : i32
      %dma_start3A_143 = tpu.memref_slice %arg4[%run_scoped3A_101, %dma_start3A_142] : memref<4x8192xf32, #tpu.memory_space<hbm>> -> memref<1x8192xf32, #tpu.memory_space<hbm>>
      %dma_start3A_144 = tpu.memref_squeeze %dma_start3A_143 : memref<1x8192xf32, #tpu.memory_space<hbm>> -> memref<8192xf32, #tpu.memory_space<hbm>>
      tpu.enqueue_dma source(%dma_start3A_144 : memref<8192xf32, #tpu.memory_space<hbm>>) target(%arg11 : memref<8192xf32, #tpu.memory_space<vmem>>) target_semaphore(%run_scoped3A_138 : memref<!tpu.dma_semaphore, #tpu.memory_space<semaphore_mem>>)
      %dma_wait3A_145 = arith.constant 0 : i32
      %dma_wait3A_146 = tpu.memref_slice %arg4[%run_scoped3A_101, %dma_wait3A_145] : memref<4x8192xf32, #tpu.memory_space<hbm>> -> memref<1x8192xf32, #tpu.memory_space<hbm>>
      %dma_wait3A_147 = tpu.memref_squeeze %dma_wait3A_146 : memref<1x8192xf32, #tpu.memory_space<hbm>> -> memref<8192xf32, #tpu.memory_space<hbm>>
      %dma_wait3A_148 = arith.constant 0 : i32
      %dma_wait3A_149 = tpu.memref_slice %arg4[%run_scoped3A_101, %dma_wait3A_148] : memref<4x8192xf32, #tpu.memory_space<hbm>> -> memref<1x8192xf32, #tpu.memory_space<hbm>>
      %dma_wait3A_150 = tpu.memref_squeeze %dma_wait3A_149 : memref<1x8192xf32, #tpu.memory_space<hbm>> -> memref<8192xf32, #tpu.memory_space<hbm>>
      tpu.wait_dma2 semaphore(%run_scoped3A_138 : memref<!tpu.dma_semaphore, #tpu.memory_space<semaphore_mem>>) src(%dma_wait3A_150 : memref<8192xf32, #tpu.memory_space<hbm>>) dst(%arg11 : memref<8192xf32, #tpu.memory_space<vmem>>)
      tpu.yield
    }) : () -> ()
    %scan3A = arith.constant 0 : i32
    %scan3A_102 = arith.constant 0 : i32
    %scan3A_103 = arith.constant 8 : i32
    %scan3A_104 = arith.addi %scan3A_102, %scan3A_103 : i32
    %scan3A_105 = arith.constant 1 : i32
    scf.for %scan3A_138 = %scan3A_102 to %scan3A_104 step %scan3A_105  : i32 {
      %rem3A = arith.constant 2 : i32
      %rem3A_139 = arith.remsi %scan3A_138, %rem3A : i32
      %mul3A_140 = arith.constant 8 : i32
      %mul3A_141 = arith.muli %scan3A_138, %mul3A_140 : i32
      %add3A_142 = arith.addi %mul3A_2, %mul3A_141 : i32
      %mul3A_143 = arith.constant 32768 : i32
      %mul3A_144 = arith.muli %rem3A_139, %mul3A_143 : i32
      %add3A_145 = arith.constant 0 : i32
      %add3A_146 = arith.addi %add3A_142, %add3A_145 : i32
      %add3A_147 = arith.constant 0 : i32
      %add3A_148 = arith.addi %mul3A_144, %add3A_147 : i32
      %dma_wait3A_149 = tpu.memref_slice %arg6[%add3A_148] : memref<65536xf32, #tpu.memory_space<vmem>> -> memref<4096xf32, #tpu.memory_space<vmem>>
      %dma_wait3A_150 = arith.constant 0 : i32
      %dma_wait3A_151 = tpu.memref_slice %arg2[%add3A_146, %dma_wait3A_150] : memref<2048x4096xf32, #tpu.memory_space<hbm>> -> memref<1x4096xf32, #tpu.memory_space<hbm>>
      %dma_wait3A_152 = tpu.memref_squeeze %dma_wait3A_151 : memref<1x4096xf32, #tpu.memory_space<hbm>> -> memref<4096xf32, #tpu.memory_space<hbm>>
      %dma_wait3A_153 = tpu.memref_slice %arg6[%add3A_148] : memref<65536xf32, #tpu.memory_space<vmem>> -> memref<4096xf32, #tpu.memory_space<vmem>>
      %dma_wait3A_154 = arith.constant 0 : i32
      %dma_wait3A_155 = tpu.memref_slice %arg2[%add3A_146, %dma_wait3A_154] : memref<2048x4096xf32, #tpu.memory_space<hbm>> -> memref<1x4096xf32, #tpu.memory_space<hbm>>
      %dma_wait3A_156 = tpu.memref_squeeze %dma_wait3A_155 : memref<1x4096xf32, #tpu.memory_space<hbm>> -> memref<4096xf32, #tpu.memory_space<hbm>>
      tpu.wait_dma2 semaphore(%arg13 : memref<!tpu.dma_semaphore, #tpu.memory_space<semaphore_mem>>) src(%dma_wait3A_156 : memref<4096xf32, #tpu.memory_space<hbm>>) dst(%dma_wait3A_153 : memref<4096xf32, #tpu.memory_space<vmem>>)
      %add3A_157 = arith.constant 1 : i32
      %add3A_158 = arith.addi %add3A_142, %add3A_157 : i32
      %add3A_159 = arith.constant 4096 : i32
      %add3A_160 = arith.addi %mul3A_144, %add3A_159 : i32
      %dma_wait3A_161 = tpu.memref_slice %arg6[%add3A_160] : memref<65536xf32, #tpu.memory_space<vmem>> -> memref<4096xf32, #tpu.memory_space<vmem>>
      %dma_wait3A_162 = arith.constant 0 : i32
      %dma_wait3A_163 = tpu.memref_slice %arg2[%add3A_158, %dma_wait3A_162] : memref<2048x4096xf32, #tpu.memory_space<hbm>> -> memref<1x4096xf32, #tpu.memory_space<hbm>>
      %dma_wait3A_164 = tpu.memref_squeeze %dma_wait3A_163 : memref<1x4096xf32, #tpu.memory_space<hbm>> -> memref<4096xf32, #tpu.memory_space<hbm>>
      %dma_wait3A_165 = tpu.memref_slice %arg6[%add3A_160] : memref<65536xf32, #tpu.memory_space<vmem>> -> memref<4096xf32, #tpu.memory_space<vmem>>
      %dma_wait3A_166 = arith.constant 0 : i32
      %dma_wait3A_167 = tpu.memref_slice %arg2[%add3A_158, %dma_wait3A_166] : memref<2048x4096xf32, #tpu.memory_space<hbm>> -> memref<1x4096xf32, #tpu.memory_space<hbm>>
      %dma_wait3A_168 = tpu.memref_squeeze %dma_wait3A_167 : memref<1x4096xf32, #tpu.memory_space<hbm>> -> memref<4096xf32, #tpu.memory_space<hbm>>
      tpu.wait_dma2 semaphore(%arg13 : memref<!tpu.dma_semaphore, #tpu.memory_space<semaphore_mem>>) src(%dma_wait3A_168 : memref<4096xf32, #tpu.memory_space<hbm>>) dst(%dma_wait3A_165 : memref<4096xf32, #tpu.memory_space<vmem>>)
      %add3A_169 = arith.constant 2 : i32
      %add3A_170 = arith.addi %add3A_142, %add3A_169 : i32
      %add3A_171 = arith.constant 8192 : i32
      %add3A_172 = arith.addi %mul3A_144, %add3A_171 : i32
      %dma_wait3A_173 = tpu.memref_slice %arg6[%add3A_172] : memref<65536xf32, #tpu.memory_space<vmem>> -> memref<4096xf32, #tpu.memory_space<vmem>>
      %dma_wait3A_174 = arith.constant 0 : i32
      %dma_wait3A_175 = tpu.memref_slice %arg2[%add3A_170, %dma_wait3A_174] : memref<2048x4096xf32, #tpu.memory_space<hbm>> -> memref<1x4096xf32, #tpu.memory_space<hbm>>
      %dma_wait3A_176 = tpu.memref_squeeze %dma_wait3A_175 : memref<1x4096xf32, #tpu.memory_space<hbm>> -> memref<4096xf32, #tpu.memory_space<hbm>>
      %dma_wait3A_177 = tpu.memref_slice %arg6[%add3A_172] : memref<65536xf32, #tpu.memory_space<vmem>> -> memref<4096xf32, #tpu.memory_space<vmem>>
      %dma_wait3A_178 = arith.constant 0 : i32
      %dma_wait3A_179 = tpu.memref_slice %arg2[%add3A_170, %dma_wait3A_178] : memref<2048x4096xf32, #tpu.memory_space<hbm>> -> memref<1x4096xf32, #tpu.memory_space<hbm>>
      %dma_wait3A_180 = tpu.memref_squeeze %dma_wait3A_179 : memref<1x4096xf32, #tpu.memory_space<hbm>> -> memref<4096xf32, #tpu.memory_space<hbm>>
      tpu.wait_dma2 semaphore(%arg13 : memref<!tpu.dma_semaphore, #tpu.memory_space<semaphore_mem>>) src(%dma_wait3A_180 : memref<4096xf32, #tpu.memory_space<hbm>>) dst(%dma_wait3A_177 : memref<4096xf32, #tpu.memory_space<vmem>>)
      %add3A_181 = arith.constant 3 : i32
      %add3A_182 = arith.addi %add3A_142, %add3A_181 : i32
      %add3A_183 = arith.constant 12288 : i32
      %add3A_184 = arith.addi %mul3A_144, %add3A_183 : i32
      %dma_wait3A_185 = tpu.memref_slice %arg6[%add3A_184] : memref<65536xf32, #tpu.memory_space<vmem>> -> memref<4096xf32, #tpu.memory_space<vmem>>
      %dma_wait3A_186 = arith.constant 0 : i32
      %dma_wait3A_187 = tpu.memref_slice %arg2[%add3A_182, %dma_wait3A_186] : memref<2048x4096xf32, #tpu.memory_space<hbm>> -> memref<1x4096xf32, #tpu.memory_space<hbm>>
      %dma_wait3A_188 = tpu.memref_squeeze %dma_wait3A_187 : memref<1x4096xf32, #tpu.memory_space<hbm>> -> memref<4096xf32, #tpu.memory_space<hbm>>
      %dma_wait3A_189 = tpu.memref_slice %arg6[%add3A_184] : memref<65536xf32, #tpu.memory_space<vmem>> -> memref<4096xf32, #tpu.memory_space<vmem>>
      %dma_wait3A_190 = arith.constant 0 : i32
      %dma_wait3A_191 = tpu.memref_slice %arg2[%add3A_182, %dma_wait3A_190] : memref<2048x4096xf32, #tpu.memory_space<hbm>> -> memref<1x4096xf32, #tpu.memory_space<hbm>>
      %dma_wait3A_192 = tpu.memref_squeeze %dma_wait3A_191 : memref<1x4096xf32, #tpu.memory_space<hbm>> -> memref<4096xf32, #tpu.memory_space<hbm>>
      tpu.wait_dma2 semaphore(%arg13 : memref<!tpu.dma_semaphore, #tpu.memory_space<semaphore_mem>>) src(%dma_wait3A_192 : memref<4096xf32, #tpu.memory_space<hbm>>) dst(%dma_wait3A_189 : memref<4096xf32, #tpu.memory_space<vmem>>)
      %add3A_193 = arith.constant 4 : i32
      %add3A_194 = arith.addi %add3A_142, %add3A_193 : i32
      %add3A_195 = arith.constant 16384 : i32
      %add3A_196 = arith.addi %mul3A_144, %add3A_195 : i32
      %dma_wait3A_197 = tpu.memref_slice %arg6[%add3A_196] : memref<65536xf32, #tpu.memory_space<vmem>> -> memref<4096xf32, #tpu.memory_space<vmem>>
      %dma_wait3A_198 = arith.constant 0 : i32
      %dma_wait3A_199 = tpu.memref_slice %arg2[%add3A_194, %dma_wait3A_198] : memref<2048x4096xf32, #tpu.memory_space<hbm>> -> memref<1x4096xf32, #tpu.memory_space<hbm>>
      %dma_wait3A_200 = tpu.memref_squeeze %dma_wait3A_199 : memref<1x4096xf32, #tpu.memory_space<hbm>> -> memref<4096xf32, #tpu.memory_space<hbm>>
      %dma_wait3A_201 = tpu.memref_slice %arg6[%add3A_196] : memref<65536xf32, #tpu.memory_space<vmem>> -> memref<4096xf32, #tpu.memory_space<vmem>>
      %dma_wait3A_202 = arith.constant 0 : i32
      %dma_wait3A_203 = tpu.memref_slice %arg2[%add3A_194, %dma_wait3A_202] : memref<2048x4096xf32, #tpu.memory_space<hbm>> -> memref<1x4096xf32, #tpu.memory_space<hbm>>
      %dma_wait3A_204 = tpu.memref_squeeze %dma_wait3A_203 : memref<1x4096xf32, #tpu.memory_space<hbm>> -> memref<4096xf32, #tpu.memory_space<hbm>>
      tpu.wait_dma2 semaphore(%arg13 : memref<!tpu.dma_semaphore, #tpu.memory_space<semaphore_mem>>) src(%dma_wait3A_204 : memref<4096xf32, #tpu.memory_space<hbm>>) dst(%dma_wait3A_201 : memref<4096xf32, #tpu.memory_space<vmem>>)
      %add3A_205 = arith.constant 5 : i32
      %add3A_206 = arith.addi %add3A_142, %add3A_205 : i32
      %add3A_207 = arith.constant 20480 : i32
      %add3A_208 = arith.addi %mul3A_144, %add3A_207 : i32
      %dma_wait3A_209 = tpu.memref_slice %arg6[%add3A_208] : memref<65536xf32, #tpu.memory_space<vmem>> -> memref<4096xf32, #tpu.memory_space<vmem>>
      %dma_wait3A_210 = arith.constant 0 : i32
      %dma_wait3A_211 = tpu.memref_slice %arg2[%add3A_206, %dma_wait3A_210] : memref<2048x4096xf32, #tpu.memory_space<hbm>> -> memref<1x4096xf32, #tpu.memory_space<hbm>>
      %dma_wait3A_212 = tpu.memref_squeeze %dma_wait3A_211 : memref<1x4096xf32, #tpu.memory_space<hbm>> -> memref<4096xf32, #tpu.memory_space<hbm>>
      %dma_wait3A_213 = tpu.memref_slice %arg6[%add3A_208] : memref<65536xf32, #tpu.memory_space<vmem>> -> memref<4096xf32, #tpu.memory_space<vmem>>
      %dma_wait3A_214 = arith.constant 0 : i32
      %dma_wait3A_215 = tpu.memref_slice %arg2[%add3A_206, %dma_wait3A_214] : memref<2048x4096xf32, #tpu.memory_space<hbm>> -> memref<1x4096xf32, #tpu.memory_space<hbm>>
      %dma_wait3A_216 = tpu.memref_squeeze %dma_wait3A_215 : memref<1x4096xf32, #tpu.memory_space<hbm>> -> memref<4096xf32, #tpu.memory_space<hbm>>
      tpu.wait_dma2 semaphore(%arg13 : memref<!tpu.dma_semaphore, #tpu.memory_space<semaphore_mem>>) src(%dma_wait3A_216 : memref<4096xf32, #tpu.memory_space<hbm>>) dst(%dma_wait3A_213 : memref<4096xf32, #tpu.memory_space<vmem>>)
      %add3A_217 = arith.constant 6 : i32
      %add3A_218 = arith.addi %add3A_142, %add3A_217 : i32
      %add3A_219 = arith.constant 24576 : i32
      %add3A_220 = arith.addi %mul3A_144, %add3A_219 : i32
      %dma_wait3A_221 = tpu.memref_slice %arg6[%add3A_220] : memref<65536xf32, #tpu.memory_space<vmem>> -> memref<4096xf32, #tpu.memory_space<vmem>>
      %dma_wait3A_222 = arith.constant 0 : i32
      %dma_wait3A_223 = tpu.memref_slice %arg2[%add3A_218, %dma_wait3A_222] : memref<2048x4096xf32, #tpu.memory_space<hbm>> -> memref<1x4096xf32, #tpu.memory_space<hbm>>
      %dma_wait3A_224 = tpu.memref_squeeze %dma_wait3A_223 : memref<1x4096xf32, #tpu.memory_space<hbm>> -> memref<4096xf32, #tpu.memory_space<hbm>>
      %dma_wait3A_225 = tpu.memref_slice %arg6[%add3A_220] : memref<65536xf32, #tpu.memory_space<vmem>> -> memref<4096xf32, #tpu.memory_space<vmem>>
      %dma_wait3A_226 = arith.constant 0 : i32
      %dma_wait3A_227 = tpu.memref_slice %arg2[%add3A_218, %dma_wait3A_226] : memref<2048x4096xf32, #tpu.memory_space<hbm>> -> memref<1x4096xf32, #tpu.memory_space<hbm>>
      %dma_wait3A_228 = tpu.memref_squeeze %dma_wait3A_227 : memref<1x4096xf32, #tpu.memory_space<hbm>> -> memref<4096xf32, #tpu.memory_space<hbm>>
      tpu.wait_dma2 semaphore(%arg13 : memref<!tpu.dma_semaphore, #tpu.memory_space<semaphore_mem>>) src(%dma_wait3A_228 : memref<4096xf32, #tpu.memory_space<hbm>>) dst(%dma_wait3A_225 : memref<4096xf32, #tpu.memory_space<vmem>>)
      %add3A_229 = arith.constant 7 : i32
      %add3A_230 = arith.addi %add3A_142, %add3A_229 : i32
      %add3A_231 = arith.constant 28672 : i32
      %add3A_232 = arith.addi %mul3A_144, %add3A_231 : i32
      %dma_wait3A_233 = tpu.memref_slice %arg6[%add3A_232] : memref<65536xf32, #tpu.memory_space<vmem>> -> memref<4096xf32, #tpu.memory_space<vmem>>
      %dma_wait3A_234 = arith.constant 0 : i32
      %dma_wait3A_235 = tpu.memref_slice %arg2[%add3A_230, %dma_wait3A_234] : memref<2048x4096xf32, #tpu.memory_space<hbm>> -> memref<1x4096xf32, #tpu.memory_space<hbm>>
      %dma_wait3A_236 = tpu.memref_squeeze %dma_wait3A_235 : memref<1x4096xf32, #tpu.memory_space<hbm>> -> memref<4096xf32, #tpu.memory_space<hbm>>
      %dma_wait3A_237 = tpu.memref_slice %arg6[%add3A_232] : memref<65536xf32, #tpu.memory_space<vmem>> -> memref<4096xf32, #tpu.memory_space<vmem>>
      %dma_wait3A_238 = arith.constant 0 : i32
      %dma_wait3A_239 = tpu.memref_slice %arg2[%add3A_230, %dma_wait3A_238] : memref<2048x4096xf32, #tpu.memory_space<hbm>> -> memref<1x4096xf32, #tpu.memory_space<hbm>>
      %dma_wait3A_240 = tpu.memref_squeeze %dma_wait3A_239 : memref<1x4096xf32, #tpu.memory_space<hbm>> -> memref<4096xf32, #tpu.memory_space<hbm>>
      tpu.wait_dma2 semaphore(%arg13 : memref<!tpu.dma_semaphore, #tpu.memory_space<semaphore_mem>>) src(%dma_wait3A_240 : memref<4096xf32, #tpu.memory_space<hbm>>) dst(%dma_wait3A_237 : memref<4096xf32, #tpu.memory_space<vmem>>)
      %lt3A = arith.constant 7 : i32
      %lt3A_241 = arith.cmpi slt, %scan3A_138, %lt3A : i32
      %convert_element_type3A = arith.extui %lt3A_241 : i1 to i32
      %cond3A = arith.constant 0 : i32
      %cond3A_242 = arith.cmpi ne, %convert_element_type3A, %cond3A : i32
      scf.if %cond3A_242 {
        %sub3A = arith.constant 1 : i32
        %sub3A_249 = arith.subi %sub3A, %rem3A_139 : i32
        %mul3A_250 = arith.constant 32768 : i32
        %mul3A_251 = arith.muli %sub3A_249, %mul3A_250 : i32
        %add3A_252 = arith.constant 8 : i32
        %add3A_253 = arith.addi %add3A_142, %add3A_252 : i32
        %add3A_254 = arith.constant 0 : i32
        %add3A_255 = arith.addi %add3A_253, %add3A_254 : i32
        %add3A_256 = arith.constant 0 : i32
        %add3A_257 = arith.addi %mul3A_251, %add3A_256 : i32
        %dma_start3A_258 = tpu.memref_slice %arg6[%add3A_257] : memref<65536xf32, #tpu.memory_space<vmem>> -> memref<4096xf32, #tpu.memory_space<vmem>>
        %dma_start3A_259 = arith.constant 0 : i32
        %dma_start3A_260 = tpu.memref_slice %arg2[%add3A_255, %dma_start3A_259] : memref<2048x4096xf32, #tpu.memory_space<hbm>> -> memref<1x4096xf32, #tpu.memory_space<hbm>>
        %dma_start3A_261 = tpu.memref_squeeze %dma_start3A_260 : memref<1x4096xf32, #tpu.memory_space<hbm>> -> memref<4096xf32, #tpu.memory_space<hbm>>
        %dma_start3A_262 = tpu.memref_slice %arg6[%add3A_257] : memref<65536xf32, #tpu.memory_space<vmem>> -> memref<4096xf32, #tpu.memory_space<vmem>>
        %dma_start3A_263 = arith.constant 0 : i32
        %dma_start3A_264 = tpu.memref_slice %arg2[%add3A_255, %dma_start3A_263] : memref<2048x4096xf32, #tpu.memory_space<hbm>> -> memref<1x4096xf32, #tpu.memory_space<hbm>>
        %dma_start3A_265 = tpu.memref_squeeze %dma_start3A_264 : memref<1x4096xf32, #tpu.memory_space<hbm>> -> memref<4096xf32, #tpu.memory_space<hbm>>
        tpu.enqueue_dma source(%dma_start3A_265 : memref<4096xf32, #tpu.memory_space<hbm>>) target(%dma_start3A_262 : memref<4096xf32, #tpu.memory_space<vmem>>) target_semaphore(%arg13 : memref<!tpu.dma_semaphore, #tpu.memory_space<semaphore_mem>>)
        %add3A_266 = arith.constant 8 : i32
        %add3A_267 = arith.addi %add3A_142, %add3A_266 : i32
        %add3A_268 = arith.constant 1 : i32
        %add3A_269 = arith.addi %add3A_267, %add3A_268 : i32
        %add3A_270 = arith.constant 4096 : i32
        %add3A_271 = arith.addi %mul3A_251, %add3A_270 : i32
        %dma_start3A_272 = tpu.memref_slice %arg6[%add3A_271] : memref<65536xf32, #tpu.memory_space<vmem>> -> memref<4096xf32, #tpu.memory_space<vmem>>
        %dma_start3A_273 = arith.constant 0 : i32
        %dma_start3A_274 = tpu.memref_slice %arg2[%add3A_269, %dma_start3A_273] : memref<2048x4096xf32, #tpu.memory_space<hbm>> -> memref<1x4096xf32, #tpu.memory_space<hbm>>
        %dma_start3A_275 = tpu.memref_squeeze %dma_start3A_274 : memref<1x4096xf32, #tpu.memory_space<hbm>> -> memref<4096xf32, #tpu.memory_space<hbm>>
        %dma_start3A_276 = tpu.memref_slice %arg6[%add3A_271] : memref<65536xf32, #tpu.memory_space<vmem>> -> memref<4096xf32, #tpu.memory_space<vmem>>
        %dma_start3A_277 = arith.constant 0 : i32
        %dma_start3A_278 = tpu.memref_slice %arg2[%add3A_269, %dma_start3A_277] : memref<2048x4096xf32, #tpu.memory_space<hbm>> -> memref<1x4096xf32, #tpu.memory_space<hbm>>
        %dma_start3A_279 = tpu.memref_squeeze %dma_start3A_278 : memref<1x4096xf32, #tpu.memory_space<hbm>> -> memref<4096xf32, #tpu.memory_space<hbm>>
        tpu.enqueue_dma source(%dma_start3A_279 : memref<4096xf32, #tpu.memory_space<hbm>>) target(%dma_start3A_276 : memref<4096xf32, #tpu.memory_space<vmem>>) target_semaphore(%arg13 : memref<!tpu.dma_semaphore, #tpu.memory_space<semaphore_mem>>)
        %add3A_280 = arith.constant 8 : i32
        %add3A_281 = arith.addi %add3A_142, %add3A_280 : i32
        %add3A_282 = arith.constant 2 : i32
        %add3A_283 = arith.addi %add3A_281, %add3A_282 : i32
        %add3A_284 = arith.constant 8192 : i32
        %add3A_285 = arith.addi %mul3A_251, %add3A_284 : i32
        %dma_start3A_286 = tpu.memref_slice %arg6[%add3A_285] : memref<65536xf32, #tpu.memory_space<vmem>> -> memref<4096xf32, #tpu.memory_space<vmem>>
        %dma_start3A_287 = arith.constant 0 : i32
        %dma_start3A_288 = tpu.memref_slice %arg2[%add3A_283, %dma_start3A_287] : memref<2048x4096xf32, #tpu.memory_space<hbm>> -> memref<1x4096xf32, #tpu.memory_space<hbm>>
        %dma_start3A_289 = tpu.memref_squeeze %dma_start3A_288 : memref<1x4096xf32, #tpu.memory_space<hbm>> -> memref<4096xf32, #tpu.memory_space<hbm>>
        %dma_start3A_290 = tpu.memref_slice %arg6[%add3A_285] : memref<65536xf32, #tpu.memory_space<vmem>> -> memref<4096xf32, #tpu.memory_space<vmem>>
        %dma_start3A_291 = arith.constant 0 : i32
        %dma_start3A_292 = tpu.memref_slice %arg2[%add3A_283, %dma_start3A_291] : memref<2048x4096xf32, #tpu.memory_space<hbm>> -> memref<1x4096xf32, #tpu.memory_space<hbm>>
        %dma_start3A_293 = tpu.memref_squeeze %dma_start3A_292 : memref<1x4096xf32, #tpu.memory_space<hbm>> -> memref<4096xf32, #tpu.memory_space<hbm>>
        tpu.enqueue_dma source(%dma_start3A_293 : memref<4096xf32, #tpu.memory_space<hbm>>) target(%dma_start3A_290 : memref<4096xf32, #tpu.memory_space<vmem>>) target_semaphore(%arg13 : memref<!tpu.dma_semaphore, #tpu.memory_space<semaphore_mem>>)
        %add3A_294 = arith.constant 8 : i32
        %add3A_295 = arith.addi %add3A_142, %add3A_294 : i32
        %add3A_296 = arith.constant 3 : i32
        %add3A_297 = arith.addi %add3A_295, %add3A_296 : i32
        %add3A_298 = arith.constant 12288 : i32
        %add3A_299 = arith.addi %mul3A_251, %add3A_298 : i32
        %dma_start3A_300 = tpu.memref_slice %arg6[%add3A_299] : memref<65536xf32, #tpu.memory_space<vmem>> -> memref<4096xf32, #tpu.memory_space<vmem>>
        %dma_start3A_301 = arith.constant 0 : i32
        %dma_start3A_302 = tpu.memref_slice %arg2[%add3A_297, %dma_start3A_301] : memref<2048x4096xf32, #tpu.memory_space<hbm>> -> memref<1x4096xf32, #tpu.memory_space<hbm>>
        %dma_start3A_303 = tpu.memref_squeeze %dma_start3A_302 : memref<1x4096xf32, #tpu.memory_space<hbm>> -> memref<4096xf32, #tpu.memory_space<hbm>>
        %dma_start3A_304 = tpu.memref_slice %arg6[%add3A_299] : memref<65536xf32, #tpu.memory_space<vmem>> -> memref<4096xf32, #tpu.memory_space<vmem>>
        %dma_start3A_305 = arith.constant 0 : i32
        %dma_start3A_306 = tpu.memref_slice %arg2[%add3A_297, %dma_start3A_305] : memref<2048x4096xf32, #tpu.memory_space<hbm>> -> memref<1x4096xf32, #tpu.memory_space<hbm>>
        %dma_start3A_307 = tpu.memref_squeeze %dma_start3A_306 : memref<1x4096xf32, #tpu.memory_space<hbm>> -> memref<4096xf32, #tpu.memory_space<hbm>>
        tpu.enqueue_dma source(%dma_start3A_307 : memref<4096xf32, #tpu.memory_space<hbm>>) target(%dma_start3A_304 : memref<4096xf32, #tpu.memory_space<vmem>>) target_semaphore(%arg13 : memref<!tpu.dma_semaphore, #tpu.memory_space<semaphore_mem>>)
        %add3A_308 = arith.constant 8 : i32
        %add3A_309 = arith.addi %add3A_142, %add3A_308 : i32
        %add3A_310 = arith.constant 4 : i32
        %add3A_311 = arith.addi %add3A_309, %add3A_310 : i32
        %add3A_312 = arith.constant 16384 : i32
        %add3A_313 = arith.addi %mul3A_251, %add3A_312 : i32
        %dma_start3A_314 = tpu.memref_slice %arg6[%add3A_313] : memref<65536xf32, #tpu.memory_space<vmem>> -> memref<4096xf32, #tpu.memory_space<vmem>>
        %dma_start3A_315 = arith.constant 0 : i32
        %dma_start3A_316 = tpu.memref_slice %arg2[%add3A_311, %dma_start3A_315] : memref<2048x4096xf32, #tpu.memory_space<hbm>> -> memref<1x4096xf32, #tpu.memory_space<hbm>>
        %dma_start3A_317 = tpu.memref_squeeze %dma_start3A_316 : memref<1x4096xf32, #tpu.memory_space<hbm>> -> memref<4096xf32, #tpu.memory_space<hbm>>
        %dma_start3A_318 = tpu.memref_slice %arg6[%add3A_313] : memref<65536xf32, #tpu.memory_space<vmem>> -> memref<4096xf32, #tpu.memory_space<vmem>>
        %dma_start3A_319 = arith.constant 0 : i32
        %dma_start3A_320 = tpu.memref_slice %arg2[%add3A_311, %dma_start3A_319] : memref<2048x4096xf32, #tpu.memory_space<hbm>> -> memref<1x4096xf32, #tpu.memory_space<hbm>>
        %dma_start3A_321 = tpu.memref_squeeze %dma_start3A_320 : memref<1x4096xf32, #tpu.memory_space<hbm>> -> memref<4096xf32, #tpu.memory_space<hbm>>
        tpu.enqueue_dma source(%dma_start3A_321 : memref<4096xf32, #tpu.memory_space<hbm>>) target(%dma_start3A_318 : memref<4096xf32, #tpu.memory_space<vmem>>) target_semaphore(%arg13 : memref<!tpu.dma_semaphore, #tpu.memory_space<semaphore_mem>>)
        %add3A_322 = arith.constant 8 : i32
        %add3A_323 = arith.addi %add3A_142, %add3A_322 : i32
        %add3A_324 = arith.constant 5 : i32
        %add3A_325 = arith.addi %add3A_323, %add3A_324 : i32
        %add3A_326 = arith.constant 20480 : i32
        %add3A_327 = arith.addi %mul3A_251, %add3A_326 : i32
        %dma_start3A_328 = tpu.memref_slice %arg6[%add3A_327] : memref<65536xf32, #tpu.memory_space<vmem>> -> memref<4096xf32, #tpu.memory_space<vmem>>
        %dma_start3A_329 = arith.constant 0 : i32
        %dma_start3A_330 = tpu.memref_slice %arg2[%add3A_325, %dma_start3A_329] : memref<2048x4096xf32, #tpu.memory_space<hbm>> -> memref<1x4096xf32, #tpu.memory_space<hbm>>
        %dma_start3A_331 = tpu.memref_squeeze %dma_start3A_330 : memref<1x4096xf32, #tpu.memory_space<hbm>> -> memref<4096xf32, #tpu.memory_space<hbm>>
        %dma_start3A_332 = tpu.memref_slice %arg6[%add3A_327] : memref<65536xf32, #tpu.memory_space<vmem>> -> memref<4096xf32, #tpu.memory_space<vmem>>
        %dma_start3A_333 = arith.constant 0 : i32
        %dma_start3A_334 = tpu.memref_slice %arg2[%add3A_325, %dma_start3A_333] : memref<2048x4096xf32, #tpu.memory_space<hbm>> -> memref<1x4096xf32, #tpu.memory_space<hbm>>
        %dma_start3A_335 = tpu.memref_squeeze %dma_start3A_334 : memref<1x4096xf32, #tpu.memory_space<hbm>> -> memref<4096xf32, #tpu.memory_space<hbm>>
        tpu.enqueue_dma source(%dma_start3A_335 : memref<4096xf32, #tpu.memory_space<hbm>>) target(%dma_start3A_332 : memref<4096xf32, #tpu.memory_space<vmem>>) target_semaphore(%arg13 : memref<!tpu.dma_semaphore, #tpu.memory_space<semaphore_mem>>)
        %add3A_336 = arith.constant 8 : i32
        %add3A_337 = arith.addi %add3A_142, %add3A_336 : i32
        %add3A_338 = arith.constant 6 : i32
        %add3A_339 = arith.addi %add3A_337, %add3A_338 : i32
        %add3A_340 = arith.constant 24576 : i32
        %add3A_341 = arith.addi %mul3A_251, %add3A_340 : i32
        %dma_start3A_342 = tpu.memref_slice %arg6[%add3A_341] : memref<65536xf32, #tpu.memory_space<vmem>> -> memref<4096xf32, #tpu.memory_space<vmem>>
        %dma_start3A_343 = arith.constant 0 : i32
        %dma_start3A_344 = tpu.memref_slice %arg2[%add3A_339, %dma_start3A_343] : memref<2048x4096xf32, #tpu.memory_space<hbm>> -> memref<1x4096xf32, #tpu.memory_space<hbm>>
        %dma_start3A_345 = tpu.memref_squeeze %dma_start3A_344 : memref<1x4096xf32, #tpu.memory_space<hbm>> -> memref<4096xf32, #tpu.memory_space<hbm>>
        %dma_start3A_346 = tpu.memref_slice %arg6[%add3A_341] : memref<65536xf32, #tpu.memory_space<vmem>> -> memref<4096xf32, #tpu.memory_space<vmem>>
        %dma_start3A_347 = arith.constant 0 : i32
        %dma_start3A_348 = tpu.memref_slice %arg2[%add3A_339, %dma_start3A_347] : memref<2048x4096xf32, #tpu.memory_space<hbm>> -> memref<1x4096xf32, #tpu.memory_space<hbm>>
        %dma_start3A_349 = tpu.memref_squeeze %dma_start3A_348 : memref<1x4096xf32, #tpu.memory_space<hbm>> -> memref<4096xf32, #tpu.memory_space<hbm>>
        tpu.enqueue_dma source(%dma_start3A_349 : memref<4096xf32, #tpu.memory_space<hbm>>) target(%dma_start3A_346 : memref<4096xf32, #tpu.memory_space<vmem>>) target_semaphore(%arg13 : memref<!tpu.dma_semaphore, #tpu.memory_space<semaphore_mem>>)
        %add3A_350 = arith.constant 8 : i32
        %add3A_351 = arith.addi %add3A_142, %add3A_350 : i32
        %add3A_352 = arith.constant 7 : i32
        %add3A_353 = arith.addi %add3A_351, %add3A_352 : i32
        %add3A_354 = arith.constant 28672 : i32
        %add3A_355 = arith.addi %mul3A_251, %add3A_354 : i32
        %dma_start3A_356 = tpu.memref_slice %arg6[%add3A_355] : memref<65536xf32, #tpu.memory_space<vmem>> -> memref<4096xf32, #tpu.memory_space<vmem>>
        %dma_start3A_357 = arith.constant 0 : i32
        %dma_start3A_358 = tpu.memref_slice %arg2[%add3A_353, %dma_start3A_357] : memref<2048x4096xf32, #tpu.memory_space<hbm>> -> memref<1x4096xf32, #tpu.memory_space<hbm>>
        %dma_start3A_359 = tpu.memref_squeeze %dma_start3A_358 : memref<1x4096xf32, #tpu.memory_space<hbm>> -> memref<4096xf32, #tpu.memory_space<hbm>>
        %dma_start3A_360 = tpu.memref_slice %arg6[%add3A_355] : memref<65536xf32, #tpu.memory_space<vmem>> -> memref<4096xf32, #tpu.memory_space<vmem>>
        %dma_start3A_361 = arith.constant 0 : i32
        %dma_start3A_362 = tpu.memref_slice %arg2[%add3A_353, %dma_start3A_361] : memref<2048x4096xf32, #tpu.memory_space<hbm>> -> memref<1x4096xf32, #tpu.memory_space<hbm>>
        %dma_start3A_363 = tpu.memref_squeeze %dma_start3A_362 : memref<1x4096xf32, #tpu.memory_space<hbm>> -> memref<4096xf32, #tpu.memory_space<hbm>>
        tpu.enqueue_dma source(%dma_start3A_363 : memref<4096xf32, #tpu.memory_space<hbm>>) target(%dma_start3A_360 : memref<4096xf32, #tpu.memory_space<vmem>>) target_semaphore(%arg13 : memref<!tpu.dma_semaphore, #tpu.memory_space<semaphore_mem>>)
      } else {
      }
      %scan3A_243 = arith.constant 0 : i32
      %scan3A_244 = arith.constant 0 : i32
      %scan3A_245 = arith.constant 8 : i32
      %scan3A_246 = arith.addi %scan3A_244, %scan3A_245 : i32
      %scan3A_247 = arith.constant 1 : i32
      scf.for %scan3A_249 = %scan3A_244 to %scan3A_246 step %scan3A_247  : i32 {
        %rem3A_250 = arith.constant 2 : i32
        %rem3A_251 = arith.remsi %scan3A_249, %rem3A_250 : i32
        %mul3A_252 = arith.constant 1024 : i32
        %mul3A_253 = arith.muli %scan3A_249, %mul3A_252 : i32
        %mul3A_254 = arith.constant 8 : i32
        %mul3A_255 = arith.muli %scan3A_138, %mul3A_254 : i32
        %add3A_256 = arith.addi %mul3A_255, %scan3A_249 : i32
        %ge3A = arith.constant 2 : i32
        %ge3A_257 = arith.cmpi sge, %add3A_256, %ge3A : i32
        %convert_element_type3A_258 = arith.extui %ge3A_257 : i1 to i32
        %cond3A_259 = arith.constant 0 : i32
        %cond3A_260 = arith.cmpi ne, %convert_element_type3A_258, %cond3A_259 : i32
        scf.if %cond3A_260 {
          %dma_wait3A_275 = arith.constant 0 : i32
          %dma_wait3A_276 = arith.constant 0 : i32
          %dma_wait3A_277 = tpu.memref_slice %arg12[%rem3A_251, %dma_wait3A_275, %dma_wait3A_276] : memref<2x8x1024xf32, #tpu.memory_space<vmem>> -> memref<1x8x1024xf32, #tpu.memory_space<vmem>>
          %dma_wait3A_278 = tpu.memref_squeeze %dma_wait3A_277 : memref<1x8x1024xf32, #tpu.memory_space<vmem>> -> memref<8x1024xf32, #tpu.memory_space<vmem>>
          %dma_wait3A_279 = tpu.memref_slice %arg5[%add3A_142, %mul3A_253] : memref<2048x8192xf32, #tpu.memory_space<hbm>> -> memref<8x1024xf32, #tpu.memory_space<hbm>>
          %dma_wait3A_280 = tpu.memref_slice %arg14[%rem3A_251] : memref<2x!tpu.dma_semaphore, #tpu.memory_space<semaphore_mem>> -> memref<1x!tpu.dma_semaphore, #tpu.memory_space<semaphore_mem>>
          %dma_wait3A_281 = tpu.memref_squeeze %dma_wait3A_280 : memref<1x!tpu.dma_semaphore, #tpu.memory_space<semaphore_mem>> -> memref<!tpu.dma_semaphore, #tpu.memory_space<semaphore_mem>>
          %dma_wait3A_282 = tpu.memref_slice %arg5[%add3A_142, %mul3A_253] : memref<2048x8192xf32, #tpu.memory_space<hbm>> -> memref<8x1024xf32, #tpu.memory_space<hbm>>
          %dma_wait3A_283 = arith.constant 0 : i32
          %dma_wait3A_284 = arith.constant 0 : i32
          %dma_wait3A_285 = tpu.memref_slice %arg12[%rem3A_251, %dma_wait3A_283, %dma_wait3A_284] : memref<2x8x1024xf32, #tpu.memory_space<vmem>> -> memref<1x8x1024xf32, #tpu.memory_space<vmem>>
          %dma_wait3A_286 = tpu.memref_squeeze %dma_wait3A_285 : memref<1x8x1024xf32, #tpu.memory_space<vmem>> -> memref<8x1024xf32, #tpu.memory_space<vmem>>
          tpu.wait_dma2 semaphore(%dma_wait3A_281 : memref<!tpu.dma_semaphore, #tpu.memory_space<semaphore_mem>>) src(%dma_wait3A_286 : memref<8x1024xf32, #tpu.memory_space<vmem>>) dst(%dma_wait3A_282 : memref<8x1024xf32, #tpu.memory_space<hbm>>)
        } else {
        }
        %parallel_loop3A = arith.constant 0 : i32
        %parallel_loop3A_261 = arith.constant 64 : i32
        %parallel_loop3A_262 = arith.constant 1 : i32
        scf.for %parallel_loop3A_275 = %parallel_loop3A to %parallel_loop3A_261 step %parallel_loop3A_262  : i32 {
          %parallel_loop3A_276 = arith.constant 16 : i32
          %parallel_loop3A_277 = arith.muli %parallel_loop3A_275, %parallel_loop3A_276 : i32
          %parallel_loop3A_278 = arith.addi %mul3A_253, %parallel_loop3A_277 : i32
          %parallel_loop3A_279 = arith.index_cast %parallel_loop3A_278 : i32 to index
          %parallel_loop3A_280 = tpu.vector_load %arg7[%parallel_loop3A_279] {strides = array<i32>} : memref<8192xi32, #tpu.memory_space<vmem>>, vector<16xi32>,
          %parallel_loop3A_281 = arith.constant 4095 : i32
          %parallel_loop3A_282 = vector.broadcast %parallel_loop3A_281 : i32 to vector<16xi32>
          %parallel_loop3A_283 = arith.andi %parallel_loop3A_280, %parallel_loop3A_282 : vector<16xi32>
          %parallel_loop3A_284 = arith.constant 12 : i32
          %parallel_loop3A_285 = vector.broadcast %parallel_loop3A_284 : i32 to vector<16xi32>
          %parallel_loop3A_286 = arith.shrsi %parallel_loop3A_280, %parallel_loop3A_285 : vector<16xi32>
          %parallel_loop3A_287 = arith.index_cast %parallel_loop3A_278 : i32 to index
          %parallel_loop3A_288 = tpu.vector_load %arg8[%parallel_loop3A_287] {strides = array<i32>} : memref<8192xf32, #tpu.memory_space<vmem>>, vector<16xf32>,
          %parallel_loop3A_289 = arith.index_cast %parallel_loop3A_278 : i32 to index
          %parallel_loop3A_290 = tpu.vector_load %arg9[%parallel_loop3A_289] {strides = array<i32>} : memref<8192xf32, #tpu.memory_space<vmem>>, vector<16xf32>,
          %parallel_loop3A_291 = arith.index_cast %parallel_loop3A_278 : i32 to index
          %parallel_loop3A_292 = tpu.vector_load %arg10[%parallel_loop3A_291] {strides = array<i32>} : memref<8192xf32, #tpu.memory_space<vmem>>, vector<16xf32>,
          %parallel_loop3A_293 = arith.index_cast %parallel_loop3A_278 : i32 to index
          %parallel_loop3A_294 = tpu.vector_load %arg11[%parallel_loop3A_293] {strides = array<i32>} : memref<8192xf32, #tpu.memory_space<vmem>>, vector<16xf32>,
          %parallel_loop3A_295 = arith.constant 0 : i32
          %parallel_loop3A_296 = arith.addi %mul3A_144, %parallel_loop3A_295 : i32
          %parallel_loop3A_297 = tpu.memref_slice %arg6[%parallel_loop3A_296] : memref<65536xf32, #tpu.memory_space<vmem>> -> memref<4096xf32, #tpu.memory_space<vmem>>
          %parallel_loop3A_298 = tpu.vector_load_idx %parallel_loop3A_297[%parallel_loop3A_283] : memref<4096xf32, #tpu.memory_space<vmem>>[vector<16xi32>], vector<16xf32>,
          %parallel_loop3A_299 = tpu.memref_slice %arg6[%parallel_loop3A_296] : memref<65536xf32, #tpu.memory_space<vmem>> -> memref<4096xf32, #tpu.memory_space<vmem>>
          %parallel_loop3A_300 = tpu.vector_load_idx %parallel_loop3A_299[%parallel_loop3A_286] : memref<4096xf32, #tpu.memory_space<vmem>>[vector<16xi32>], vector<16xf32>,
          %parallel_loop3A_301 = arith.mulf %parallel_loop3A_290, %parallel_loop3A_298 : vector<16xf32>
          %parallel_loop3A_302 = arith.addf %parallel_loop3A_288, %parallel_loop3A_301 : vector<16xf32>
          %parallel_loop3A_303 = arith.mulf %parallel_loop3A_292, %parallel_loop3A_300 : vector<16xf32>
          %parallel_loop3A_304 = arith.addf %parallel_loop3A_302, %parallel_loop3A_303 : vector<16xf32>
          %parallel_loop3A_305 = arith.mulf %parallel_loop3A_298, %parallel_loop3A_300 : vector<16xf32>
          %parallel_loop3A_306 = arith.mulf %parallel_loop3A_294, %parallel_loop3A_305 : vector<16xf32>
          %parallel_loop3A_307 = arith.addf %parallel_loop3A_304, %parallel_loop3A_306 : vector<16xf32>
          %parallel_loop3A_308 = arith.constant 16 : i32
          %parallel_loop3A_309 = arith.muli %parallel_loop3A_275, %parallel_loop3A_308 : i32
          %parallel_loop3A_310 = arith.constant 0 : i32
          %parallel_loop3A_311 = arith.index_cast %rem3A_251 : i32 to index
          %parallel_loop3A_312 = arith.index_cast %parallel_loop3A_310 : i32 to index
          %parallel_loop3A_313 = arith.index_cast %parallel_loop3A_309 : i32 to index
          %parallel_loop3A_314 = tpu.vector_load %arg12[%parallel_loop3A_311, %parallel_loop3A_312, %parallel_loop3A_313] {strides = array<i32>} : memref<2x8x1024xf32, #tpu.memory_space<vmem>>, vector<16xf32>,
          tpu.vector_store %arg12[%parallel_loop3A_311, %parallel_loop3A_312, %parallel_loop3A_313], %parallel_loop3A_307 {strides = array<i32>} : memref<2x8x1024xf32, #tpu.memory_space<vmem>>, vector<16xf32>,
          %parallel_loop3A_315 = arith.constant 4096 : i32
          %parallel_loop3A_316 = arith.addi %mul3A_144, %parallel_loop3A_315 : i32
          %parallel_loop3A_317 = tpu.memref_slice %arg6[%parallel_loop3A_316] : memref<65536xf32, #tpu.memory_space<vmem>> -> memref<4096xf32, #tpu.memory_space<vmem>>
          %parallel_loop3A_318 = tpu.vector_load_idx %parallel_loop3A_317[%parallel_loop3A_283] : memref<4096xf32, #tpu.memory_space<vmem>>[vector<16xi32>], vector<16xf32>,
          %parallel_loop3A_319 = tpu.memref_slice %arg6[%parallel_loop3A_316] : memref<65536xf32, #tpu.memory_space<vmem>> -> memref<4096xf32, #tpu.memory_space<vmem>>
          %parallel_loop3A_320 = tpu.vector_load_idx %parallel_loop3A_319[%parallel_loop3A_286] : memref<4096xf32, #tpu.memory_space<vmem>>[vector<16xi32>], vector<16xf32>,
          %parallel_loop3A_321 = arith.mulf %parallel_loop3A_290, %parallel_loop3A_318 : vector<16xf32>
          %parallel_loop3A_322 = arith.addf %parallel_loop3A_288, %parallel_loop3A_321 : vector<16xf32>
          %parallel_loop3A_323 = arith.mulf %parallel_loop3A_292, %parallel_loop3A_320 : vector<16xf32>
          %parallel_loop3A_324 = arith.addf %parallel_loop3A_322, %parallel_loop3A_323 : vector<16xf32>
          %parallel_loop3A_325 = arith.mulf %parallel_loop3A_318, %parallel_loop3A_320 : vector<16xf32>
          %parallel_loop3A_326 = arith.mulf %parallel_loop3A_294, %parallel_loop3A_325 : vector<16xf32>
          %parallel_loop3A_327 = arith.addf %parallel_loop3A_324, %parallel_loop3A_326 : vector<16xf32>
          %parallel_loop3A_328 = arith.constant 16 : i32
          %parallel_loop3A_329 = arith.muli %parallel_loop3A_275, %parallel_loop3A_328 : i32
          %parallel_loop3A_330 = arith.constant 1 : i32
          %parallel_loop3A_331 = arith.index_cast %rem3A_251 : i32 to index
          %parallel_loop3A_332 = arith.index_cast %parallel_loop3A_330 : i32 to index
          %parallel_loop3A_333 = arith.index_cast %parallel_loop3A_329 : i32 to index
          %parallel_loop3A_334 = tpu.vector_load %arg12[%parallel_loop3A_331, %parallel_loop3A_332, %parallel_loop3A_333] {strides = array<i32>} : memref<2x8x1024xf32, #tpu.memory_space<vmem>>, vector<16xf32>,
          tpu.vector_store %arg12[%parallel_loop3A_331, %parallel_loop3A_332, %parallel_loop3A_333], %parallel_loop3A_327 {strides = array<i32>} : memref<2x8x1024xf32, #tpu.memory_space<vmem>>, vector<16xf32>,
          %parallel_loop3A_335 = arith.constant 8192 : i32
          %parallel_loop3A_336 = arith.addi %mul3A_144, %parallel_loop3A_335 : i32
          %parallel_loop3A_337 = tpu.memref_slice %arg6[%parallel_loop3A_336] : memref<65536xf32, #tpu.memory_space<vmem>> -> memref<4096xf32, #tpu.memory_space<vmem>>
          %parallel_loop3A_338 = tpu.vector_load_idx %parallel_loop3A_337[%parallel_loop3A_283] : memref<4096xf32, #tpu.memory_space<vmem>>[vector<16xi32>], vector<16xf32>,
          %parallel_loop3A_339 = tpu.memref_slice %arg6[%parallel_loop3A_336] : memref<65536xf32, #tpu.memory_space<vmem>> -> memref<4096xf32, #tpu.memory_space<vmem>>
          %parallel_loop3A_340 = tpu.vector_load_idx %parallel_loop3A_339[%parallel_loop3A_286] : memref<4096xf32, #tpu.memory_space<vmem>>[vector<16xi32>], vector<16xf32>,
          %parallel_loop3A_341 = arith.mulf %parallel_loop3A_290, %parallel_loop3A_338 : vector<16xf32>
          %parallel_loop3A_342 = arith.addf %parallel_loop3A_288, %parallel_loop3A_341 : vector<16xf32>
          %parallel_loop3A_343 = arith.mulf %parallel_loop3A_292, %parallel_loop3A_340 : vector<16xf32>
          %parallel_loop3A_344 = arith.addf %parallel_loop3A_342, %parallel_loop3A_343 : vector<16xf32>
          %parallel_loop3A_345 = arith.mulf %parallel_loop3A_338, %parallel_loop3A_340 : vector<16xf32>
          %parallel_loop3A_346 = arith.mulf %parallel_loop3A_294, %parallel_loop3A_345 : vector<16xf32>
          %parallel_loop3A_347 = arith.addf %parallel_loop3A_344, %parallel_loop3A_346 : vector<16xf32>
          %parallel_loop3A_348 = arith.constant 16 : i32
          %parallel_loop3A_349 = arith.muli %parallel_loop3A_275, %parallel_loop3A_348 : i32
          %parallel_loop3A_350 = arith.constant 2 : i32
          %parallel_loop3A_351 = arith.index_cast %rem3A_251 : i32 to index
          %parallel_loop3A_352 = arith.index_cast %parallel_loop3A_350 : i32 to index
          %parallel_loop3A_353 = arith.index_cast %parallel_loop3A_349 : i32 to index
          %parallel_loop3A_354 = tpu.vector_load %arg12[%parallel_loop3A_351, %parallel_loop3A_352, %parallel_loop3A_353] {strides = array<i32>} : memref<2x8x1024xf32, #tpu.memory_space<vmem>>, vector<16xf32>,
          tpu.vector_store %arg12[%parallel_loop3A_351, %parallel_loop3A_352, %parallel_loop3A_353], %parallel_loop3A_347 {strides = array<i32>} : memref<2x8x1024xf32, #tpu.memory_space<vmem>>, vector<16xf32>,
          %parallel_loop3A_355 = arith.constant 12288 : i32
          %parallel_loop3A_356 = arith.addi %mul3A_144, %parallel_loop3A_355 : i32
          %parallel_loop3A_357 = tpu.memref_slice %arg6[%parallel_loop3A_356] : memref<65536xf32, #tpu.memory_space<vmem>> -> memref<4096xf32, #tpu.memory_space<vmem>>
          %parallel_loop3A_358 = tpu.vector_load_idx %parallel_loop3A_357[%parallel_loop3A_283] : memref<4096xf32, #tpu.memory_space<vmem>>[vector<16xi32>], vector<16xf32>,
          %parallel_loop3A_359 = tpu.memref_slice %arg6[%parallel_loop3A_356] : memref<65536xf32, #tpu.memory_space<vmem>> -> memref<4096xf32, #tpu.memory_space<vmem>>
          %parallel_loop3A_360 = tpu.vector_load_idx %parallel_loop3A_359[%parallel_loop3A_286] : memref<4096xf32, #tpu.memory_space<vmem>>[vector<16xi32>], vector<16xf32>,
          %parallel_loop3A_361 = arith.mulf %parallel_loop3A_290, %parallel_loop3A_358 : vector<16xf32>
          %parallel_loop3A_362 = arith.addf %parallel_loop3A_288, %parallel_loop3A_361 : vector<16xf32>
          %parallel_loop3A_363 = arith.mulf %parallel_loop3A_292, %parallel_loop3A_360 : vector<16xf32>
          %parallel_loop3A_364 = arith.addf %parallel_loop3A_362, %parallel_loop3A_363 : vector<16xf32>
          %parallel_loop3A_365 = arith.mulf %parallel_loop3A_358, %parallel_loop3A_360 : vector<16xf32>
          %parallel_loop3A_366 = arith.mulf %parallel_loop3A_294, %parallel_loop3A_365 : vector<16xf32>
          %parallel_loop3A_367 = arith.addf %parallel_loop3A_364, %parallel_loop3A_366 : vector<16xf32>
          %parallel_loop3A_368 = arith.constant 16 : i32
          %parallel_loop3A_369 = arith.muli %parallel_loop3A_275, %parallel_loop3A_368 : i32
          %parallel_loop3A_370 = arith.constant 3 : i32
          %parallel_loop3A_371 = arith.index_cast %rem3A_251 : i32 to index
          %parallel_loop3A_372 = arith.index_cast %parallel_loop3A_370 : i32 to index
          %parallel_loop3A_373 = arith.index_cast %parallel_loop3A_369 : i32 to index
          %parallel_loop3A_374 = tpu.vector_load %arg12[%parallel_loop3A_371, %parallel_loop3A_372, %parallel_loop3A_373] {strides = array<i32>} : memref<2x8x1024xf32, #tpu.memory_space<vmem>>, vector<16xf32>,
          tpu.vector_store %arg12[%parallel_loop3A_371, %parallel_loop3A_372, %parallel_loop3A_373], %parallel_loop3A_367 {strides = array<i32>} : memref<2x8x1024xf32, #tpu.memory_space<vmem>>, vector<16xf32>,
          %parallel_loop3A_375 = arith.constant 16384 : i32
          %parallel_loop3A_376 = arith.addi %mul3A_144, %parallel_loop3A_375 : i32
          %parallel_loop3A_377 = tpu.memref_slice %arg6[%parallel_loop3A_376] : memref<65536xf32, #tpu.memory_space<vmem>> -> memref<4096xf32, #tpu.memory_space<vmem>>
          %parallel_loop3A_378 = tpu.vector_load_idx %parallel_loop3A_377[%parallel_loop3A_283] : memref<4096xf32, #tpu.memory_space<vmem>>[vector<16xi32>], vector<16xf32>,
          %parallel_loop3A_379 = tpu.memref_slice %arg6[%parallel_loop3A_376] : memref<65536xf32, #tpu.memory_space<vmem>> -> memref<4096xf32, #tpu.memory_space<vmem>>
          %parallel_loop3A_380 = tpu.vector_load_idx %parallel_loop3A_379[%parallel_loop3A_286] : memref<4096xf32, #tpu.memory_space<vmem>>[vector<16xi32>], vector<16xf32>,
          %parallel_loop3A_381 = arith.mulf %parallel_loop3A_290, %parallel_loop3A_378 : vector<16xf32>
          %parallel_loop3A_382 = arith.addf %parallel_loop3A_288, %parallel_loop3A_381 : vector<16xf32>
          %parallel_loop3A_383 = arith.mulf %parallel_loop3A_292, %parallel_loop3A_380 : vector<16xf32>
          %parallel_loop3A_384 = arith.addf %parallel_loop3A_382, %parallel_loop3A_383 : vector<16xf32>
          %parallel_loop3A_385 = arith.mulf %parallel_loop3A_378, %parallel_loop3A_380 : vector<16xf32>
          %parallel_loop3A_386 = arith.mulf %parallel_loop3A_294, %parallel_loop3A_385 : vector<16xf32>
          %parallel_loop3A_387 = arith.addf %parallel_loop3A_384, %parallel_loop3A_386 : vector<16xf32>
          %parallel_loop3A_388 = arith.constant 16 : i32
          %parallel_loop3A_389 = arith.muli %parallel_loop3A_275, %parallel_loop3A_388 : i32
          %parallel_loop3A_390 = arith.constant 4 : i32
          %parallel_loop3A_391 = arith.index_cast %rem3A_251 : i32 to index
          %parallel_loop3A_392 = arith.index_cast %parallel_loop3A_390 : i32 to index
          %parallel_loop3A_393 = arith.index_cast %parallel_loop3A_389 : i32 to index
          %parallel_loop3A_394 = tpu.vector_load %arg12[%parallel_loop3A_391, %parallel_loop3A_392, %parallel_loop3A_393] {strides = array<i32>} : memref<2x8x1024xf32, #tpu.memory_space<vmem>>, vector<16xf32>,
          tpu.vector_store %arg12[%parallel_loop3A_391, %parallel_loop3A_392, %parallel_loop3A_393], %parallel_loop3A_387 {strides = array<i32>} : memref<2x8x1024xf32, #tpu.memory_space<vmem>>, vector<16xf32>,
          %parallel_loop3A_395 = arith.constant 20480 : i32
          %parallel_loop3A_396 = arith.addi %mul3A_144, %parallel_loop3A_395 : i32
          %parallel_loop3A_397 = tpu.memref_slice %arg6[%parallel_loop3A_396] : memref<65536xf32, #tpu.memory_space<vmem>> -> memref<4096xf32, #tpu.memory_space<vmem>>
          %parallel_loop3A_398 = tpu.vector_load_idx %parallel_loop3A_397[%parallel_loop3A_283] : memref<4096xf32, #tpu.memory_space<vmem>>[vector<16xi32>], vector<16xf32>,
          %parallel_loop3A_399 = tpu.memref_slice %arg6[%parallel_loop3A_396] : memref<65536xf32, #tpu.memory_space<vmem>> -> memref<4096xf32, #tpu.memory_space<vmem>>
          %parallel_loop3A_400 = tpu.vector_load_idx %parallel_loop3A_399[%parallel_loop3A_286] : memref<4096xf32, #tpu.memory_space<vmem>>[vector<16xi32>], vector<16xf32>,
          %parallel_loop3A_401 = arith.mulf %parallel_loop3A_290, %parallel_loop3A_398 : vector<16xf32>
          %parallel_loop3A_402 = arith.addf %parallel_loop3A_288, %parallel_loop3A_401 : vector<16xf32>
          %parallel_loop3A_403 = arith.mulf %parallel_loop3A_292, %parallel_loop3A_400 : vector<16xf32>
          %parallel_loop3A_404 = arith.addf %parallel_loop3A_402, %parallel_loop3A_403 : vector<16xf32>
          %parallel_loop3A_405 = arith.mulf %parallel_loop3A_398, %parallel_loop3A_400 : vector<16xf32>
          %parallel_loop3A_406 = arith.mulf %parallel_loop3A_294, %parallel_loop3A_405 : vector<16xf32>
          %parallel_loop3A_407 = arith.addf %parallel_loop3A_404, %parallel_loop3A_406 : vector<16xf32>
          %parallel_loop3A_408 = arith.constant 16 : i32
          %parallel_loop3A_409 = arith.muli %parallel_loop3A_275, %parallel_loop3A_408 : i32
          %parallel_loop3A_410 = arith.constant 5 : i32
          %parallel_loop3A_411 = arith.index_cast %rem3A_251 : i32 to index
          %parallel_loop3A_412 = arith.index_cast %parallel_loop3A_410 : i32 to index
          %parallel_loop3A_413 = arith.index_cast %parallel_loop3A_409 : i32 to index
          %parallel_loop3A_414 = tpu.vector_load %arg12[%parallel_loop3A_411, %parallel_loop3A_412, %parallel_loop3A_413] {strides = array<i32>} : memref<2x8x1024xf32, #tpu.memory_space<vmem>>, vector<16xf32>,
          tpu.vector_store %arg12[%parallel_loop3A_411, %parallel_loop3A_412, %parallel_loop3A_413], %parallel_loop3A_407 {strides = array<i32>} : memref<2x8x1024xf32, #tpu.memory_space<vmem>>, vector<16xf32>,
          %parallel_loop3A_415 = arith.constant 24576 : i32
          %parallel_loop3A_416 = arith.addi %mul3A_144, %parallel_loop3A_415 : i32
          %parallel_loop3A_417 = tpu.memref_slice %arg6[%parallel_loop3A_416] : memref<65536xf32, #tpu.memory_space<vmem>> -> memref<4096xf32, #tpu.memory_space<vmem>>
          %parallel_loop3A_418 = tpu.vector_load_idx %parallel_loop3A_417[%parallel_loop3A_283] : memref<4096xf32, #tpu.memory_space<vmem>>[vector<16xi32>], vector<16xf32>,
          %parallel_loop3A_419 = tpu.memref_slice %arg6[%parallel_loop3A_416] : memref<65536xf32, #tpu.memory_space<vmem>> -> memref<4096xf32, #tpu.memory_space<vmem>>
          %parallel_loop3A_420 = tpu.vector_load_idx %parallel_loop3A_419[%parallel_loop3A_286] : memref<4096xf32, #tpu.memory_space<vmem>>[vector<16xi32>], vector<16xf32>,
          %parallel_loop3A_421 = arith.mulf %parallel_loop3A_290, %parallel_loop3A_418 : vector<16xf32>
          %parallel_loop3A_422 = arith.addf %parallel_loop3A_288, %parallel_loop3A_421 : vector<16xf32>
          %parallel_loop3A_423 = arith.mulf %parallel_loop3A_292, %parallel_loop3A_420 : vector<16xf32>
          %parallel_loop3A_424 = arith.addf %parallel_loop3A_422, %parallel_loop3A_423 : vector<16xf32>
          %parallel_loop3A_425 = arith.mulf %parallel_loop3A_418, %parallel_loop3A_420 : vector<16xf32>
          %parallel_loop3A_426 = arith.mulf %parallel_loop3A_294, %parallel_loop3A_425 : vector<16xf32>
          %parallel_loop3A_427 = arith.addf %parallel_loop3A_424, %parallel_loop3A_426 : vector<16xf32>
          %parallel_loop3A_428 = arith.constant 16 : i32
          %parallel_loop3A_429 = arith.muli %parallel_loop3A_275, %parallel_loop3A_428 : i32
          %parallel_loop3A_430 = arith.constant 6 : i32
          %parallel_loop3A_431 = arith.index_cast %rem3A_251 : i32 to index
          %parallel_loop3A_432 = arith.index_cast %parallel_loop3A_430 : i32 to index
          %parallel_loop3A_433 = arith.index_cast %parallel_loop3A_429 : i32 to index
          %parallel_loop3A_434 = tpu.vector_load %arg12[%parallel_loop3A_431, %parallel_loop3A_432, %parallel_loop3A_433] {strides = array<i32>} : memref<2x8x1024xf32, #tpu.memory_space<vmem>>, vector<16xf32>,
          tpu.vector_store %arg12[%parallel_loop3A_431, %parallel_loop3A_432, %parallel_loop3A_433], %parallel_loop3A_427 {strides = array<i32>} : memref<2x8x1024xf32, #tpu.memory_space<vmem>>, vector<16xf32>,
          %parallel_loop3A_435 = arith.constant 28672 : i32
          %parallel_loop3A_436 = arith.addi %mul3A_144, %parallel_loop3A_435 : i32
          %parallel_loop3A_437 = tpu.memref_slice %arg6[%parallel_loop3A_436] : memref<65536xf32, #tpu.memory_space<vmem>> -> memref<4096xf32, #tpu.memory_space<vmem>>
          %parallel_loop3A_438 = tpu.vector_load_idx %parallel_loop3A_437[%parallel_loop3A_283] : memref<4096xf32, #tpu.memory_space<vmem>>[vector<16xi32>], vector<16xf32>,
          %parallel_loop3A_439 = tpu.memref_slice %arg6[%parallel_loop3A_436] : memref<65536xf32, #tpu.memory_space<vmem>> -> memref<4096xf32, #tpu.memory_space<vmem>>
          %parallel_loop3A_440 = tpu.vector_load_idx %parallel_loop3A_439[%parallel_loop3A_286] : memref<4096xf32, #tpu.memory_space<vmem>>[vector<16xi32>], vector<16xf32>,
          %parallel_loop3A_441 = arith.mulf %parallel_loop3A_290, %parallel_loop3A_438 : vector<16xf32>
          %parallel_loop3A_442 = arith.addf %parallel_loop3A_288, %parallel_loop3A_441 : vector<16xf32>
          %parallel_loop3A_443 = arith.mulf %parallel_loop3A_292, %parallel_loop3A_440 : vector<16xf32>
          %parallel_loop3A_444 = arith.addf %parallel_loop3A_442, %parallel_loop3A_443 : vector<16xf32>
          %parallel_loop3A_445 = arith.mulf %parallel_loop3A_438, %parallel_loop3A_440 : vector<16xf32>
          %parallel_loop3A_446 = arith.mulf %parallel_loop3A_294, %parallel_loop3A_445 : vector<16xf32>
          %parallel_loop3A_447 = arith.addf %parallel_loop3A_444, %parallel_loop3A_446 : vector<16xf32>
          %parallel_loop3A_448 = arith.constant 16 : i32
          %parallel_loop3A_449 = arith.muli %parallel_loop3A_275, %parallel_loop3A_448 : i32
          %parallel_loop3A_450 = arith.constant 7 : i32
          %parallel_loop3A_451 = arith.index_cast %rem3A_251 : i32 to index
          %parallel_loop3A_452 = arith.index_cast %parallel_loop3A_450 : i32 to index
          %parallel_loop3A_453 = arith.index_cast %parallel_loop3A_449 : i32 to index
          %parallel_loop3A_454 = tpu.vector_load %arg12[%parallel_loop3A_451, %parallel_loop3A_452, %parallel_loop3A_453] {strides = array<i32>} : memref<2x8x1024xf32, #tpu.memory_space<vmem>>, vector<16xf32>,
          tpu.vector_store %arg12[%parallel_loop3A_451, %parallel_loop3A_452, %parallel_loop3A_453], %parallel_loop3A_447 {strides = array<i32>} : memref<2x8x1024xf32, #tpu.memory_space<vmem>>, vector<16xf32>,
        } {sc.loop_unroll_factor = 1 : i64, sc.parallel_access}
        %dma_start3A_263 = arith.constant 0 : i32
        %dma_start3A_264 = arith.constant 0 : i32
        %dma_start3A_265 = tpu.memref_slice %arg12[%rem3A_251, %dma_start3A_263, %dma_start3A_264] : memref<2x8x1024xf32, #tpu.memory_space<vmem>> -> memref<1x8x1024xf32, #tpu.memory_space<vmem>>
        %dma_start3A_266 = tpu.memref_squeeze %dma_start3A_265 : memref<1x8x1024xf32, #tpu.memory_space<vmem>> -> memref<8x1024xf32, #tpu.memory_space<vmem>>
        %dma_start3A_267 = tpu.memref_slice %arg5[%add3A_142, %mul3A_253] : memref<2048x8192xf32, #tpu.memory_space<hbm>> -> memref<8x1024xf32, #tpu.memory_space<hbm>>
        %dma_start3A_268 = tpu.memref_slice %arg14[%rem3A_251] : memref<2x!tpu.dma_semaphore, #tpu.memory_space<semaphore_mem>> -> memref<1x!tpu.dma_semaphore, #tpu.memory_space<semaphore_mem>>
        %dma_start3A_269 = tpu.memref_squeeze %dma_start3A_268 : memref<1x!tpu.dma_semaphore, #tpu.memory_space<semaphore_mem>> -> memref<!tpu.dma_semaphore, #tpu.memory_space<semaphore_mem>>
        %dma_start3A_270 = tpu.memref_slice %arg5[%add3A_142, %mul3A_253] : memref<2048x8192xf32, #tpu.memory_space<hbm>> -> memref<8x1024xf32, #tpu.memory_space<hbm>>
        %dma_start3A_271 = arith.constant 0 : i32
        %dma_start3A_272 = arith.constant 0 : i32
        %dma_start3A_273 = tpu.memref_slice %arg12[%rem3A_251, %dma_start3A_271, %dma_start3A_272] : memref<2x8x1024xf32, #tpu.memory_space<vmem>> -> memref<1x8x1024xf32, #tpu.memory_space<vmem>>
        %dma_start3A_274 = tpu.memref_squeeze %dma_start3A_273 : memref<1x8x1024xf32, #tpu.memory_space<vmem>> -> memref<8x1024xf32, #tpu.memory_space<vmem>>
        tpu.enqueue_dma source(%dma_start3A_274 : memref<8x1024xf32, #tpu.memory_space<vmem>>) target(%dma_start3A_270 : memref<8x1024xf32, #tpu.memory_space<hbm>>) target_semaphore(%dma_start3A_269 : memref<!tpu.dma_semaphore, #tpu.memory_space<semaphore_mem>>)
      }
      %scan3A_248 = arith.constant 8 : i32
    }
    %scan3A_106 = arith.constant 8 : i32
    %dma_wait3A = arith.constant 0 : i32
    %dma_wait3A_107 = arith.constant 0 : i32
    %dma_wait3A_108 = arith.constant 0 : i32
    %dma_wait3A_109 = arith.constant 0 : i32
    %dma_wait3A_110 = tpu.memref_slice %arg12[%dma_wait3A, %dma_wait3A_108, %dma_wait3A_109] : memref<2x8x1024xf32, #tpu.memory_space<vmem>> -> memref<1x8x1024xf32, #tpu.memory_space<vmem>>
    %dma_wait3A_111 = tpu.memref_squeeze %dma_wait3A_110 : memref<1x8x1024xf32, #tpu.memory_space<vmem>> -> memref<8x1024xf32, #tpu.memory_space<vmem>>
    %dma_wait3A_112 = arith.constant 0 : i32
    %dma_wait3A_113 = tpu.memref_slice %arg5[%mul3A_2, %dma_wait3A_112] : memref<2048x8192xf32, #tpu.memory_space<hbm>> -> memref<8x1024xf32, #tpu.memory_space<hbm>>
    %dma_wait3A_114 = tpu.memref_slice %arg14[%dma_wait3A_107] : memref<2x!tpu.dma_semaphore, #tpu.memory_space<semaphore_mem>> -> memref<1x!tpu.dma_semaphore, #tpu.memory_space<semaphore_mem>>
    %dma_wait3A_115 = tpu.memref_squeeze %dma_wait3A_114 : memref<1x!tpu.dma_semaphore, #tpu.memory_space<semaphore_mem>> -> memref<!tpu.dma_semaphore, #tpu.memory_space<semaphore_mem>>
    %dma_wait3A_116 = arith.constant 0 : i32
    %dma_wait3A_117 = tpu.memref_slice %arg5[%mul3A_2, %dma_wait3A_116] : memref<2048x8192xf32, #tpu.memory_space<hbm>> -> memref<8x1024xf32, #tpu.memory_space<hbm>>
    %dma_wait3A_118 = arith.constant 0 : i32
    %dma_wait3A_119 = arith.constant 0 : i32
    %dma_wait3A_120 = tpu.memref_slice %arg12[%dma_wait3A, %dma_wait3A_118, %dma_wait3A_119] : memref<2x8x1024xf32, #tpu.memory_space<vmem>> -> memref<1x8x1024xf32, #tpu.memory_space<vmem>>
    %dma_wait3A_121 = tpu.memref_squeeze %dma_wait3A_120 : memref<1x8x1024xf32, #tpu.memory_space<vmem>> -> memref<8x1024xf32, #tpu.memory_space<vmem>>
    tpu.wait_dma2 semaphore(%dma_wait3A_115 : memref<!tpu.dma_semaphore, #tpu.memory_space<semaphore_mem>>) src(%dma_wait3A_121 : memref<8x1024xf32, #tpu.memory_space<vmem>>) dst(%dma_wait3A_117 : memref<8x1024xf32, #tpu.memory_space<hbm>>)
    %dma_wait3A_122 = arith.constant 1 : i32
    %dma_wait3A_123 = arith.constant 1 : i32
    %dma_wait3A_124 = arith.constant 0 : i32
    %dma_wait3A_125 = arith.constant 0 : i32
    %dma_wait3A_126 = tpu.memref_slice %arg12[%dma_wait3A_122, %dma_wait3A_124, %dma_wait3A_125] : memref<2x8x1024xf32, #tpu.memory_space<vmem>> -> memref<1x8x1024xf32, #tpu.memory_space<vmem>>
    %dma_wait3A_127 = tpu.memref_squeeze %dma_wait3A_126 : memref<1x8x1024xf32, #tpu.memory_space<vmem>> -> memref<8x1024xf32, #tpu.memory_space<vmem>>
    %dma_wait3A_128 = arith.constant 0 : i32
    %dma_wait3A_129 = tpu.memref_slice %arg5[%mul3A_2, %dma_wait3A_128] : memref<2048x8192xf32, #tpu.memory_space<hbm>> -> memref<8x1024xf32, #tpu.memory_space<hbm>>
    %dma_wait3A_130 = tpu.memref_slice %arg14[%dma_wait3A_123] : memref<2x!tpu.dma_semaphore, #tpu.memory_space<semaphore_mem>> -> memref<1x!tpu.dma_semaphore, #tpu.memory_space<semaphore_mem>>
    %dma_wait3A_131 = tpu.memref_squeeze %dma_wait3A_130 : memref<1x!tpu.dma_semaphore, #tpu.memory_space<semaphore_mem>> -> memref<!tpu.dma_semaphore, #tpu.memory_space<semaphore_mem>>
    %dma_wait3A_132 = arith.constant 0 : i32
    %dma_wait3A_133 = tpu.memref_slice %arg5[%mul3A_2, %dma_wait3A_132] : memref<2048x8192xf32, #tpu.memory_space<hbm>> -> memref<8x1024xf32, #tpu.memory_space<hbm>>
    %dma_wait3A_134 = arith.constant 0 : i32
    %dma_wait3A_135 = arith.constant 0 : i32
    %dma_wait3A_136 = tpu.memref_slice %arg12[%dma_wait3A_122, %dma_wait3A_134, %dma_wait3A_135] : memref<2x8x1024xf32, #tpu.memory_space<vmem>> -> memref<1x8x1024xf32, #tpu.memory_space<vmem>>
    %dma_wait3A_137 = tpu.memref_squeeze %dma_wait3A_136 : memref<1x8x1024xf32, #tpu.memory_space<vmem>> -> memref<8x1024xf32, #tpu.memory_space<vmem>>
    tpu.wait_dma2 semaphore(%dma_wait3A_131 : memref<!tpu.dma_semaphore, #tpu.memory_space<semaphore_mem>>) src(%dma_wait3A_137 : memref<8x1024xf32, #tpu.memory_space<vmem>>) dst(%dma_wait3A_133 : memref<8x1024xf32, #tpu.memory_space<hbm>>)
    return
  }
}

module attributes {stable_mosaic.version = 14 : i64} {
  func.func @_coeff_body(%arg0: memref<8192x16xf32, #tpu.memory_space<vmem>>, %arg1: memref<4x16xf32, #tpu.memory_space<vmem>>, %arg2: memref<1x8192xi32, #tpu.memory_space<vmem>>, %arg3: memref<1x8192xi32, #tpu.memory_space<vmem>>, %arg4: memref<4x8192xf32, #tpu.memory_space<vmem>>, %arg5: memref<1x8192xi32, #tpu.memory_space<vmem>>) attributes {dimension_semantics = [], scalar_prefetch = 0 : i64, scratch_operands = 0 : i64, tpu.core_type = #tpu.core_type<tc>} {
    %get3A = arith.constant 0 : index
    %get3A_0 = arith.constant 0 : index
    %get3A_1 = vector.load %arg0[%get3A, %get3A_0] : memref<8192x16xf32, #tpu.memory_space<vmem>>, vector<8192x16xf32>
    %reduce_max3A = arith.constant dense<0xFF800000> : vector<8192xf32>
    %reduce_max3A_2 = vector.multi_reduction <maximumf>, %get3A_1, %reduce_max3A [1] : vector<8192x16xf32> to vector<8192xf32>
    %broadcast_in_dim3A = vector.shape_cast %reduce_max3A_2 : vector<8192xf32> to vector<8192x1xf32>
    %sub3A = vector.broadcast %broadcast_in_dim3A : vector<8192x1xf32> to vector<8192x16xf32>
    %sub3A_3 = arith.subf %get3A_1, %sub3A : vector<8192x16xf32>
    %exp3A = math.exp %sub3A_3 : vector<8192x16xf32>
    %reduce_sum3A = arith.constant dense<0.000000e+00> : vector<8192xf32>
    %reduce_sum3A_4 = vector.multi_reduction <add>, %exp3A, %reduce_sum3A [1] : vector<8192x16xf32> to vector<8192xf32>
    %broadcast_in_dim3A_5 = vector.shape_cast %reduce_sum3A_4 : vector<8192xf32> to vector<8192x1xf32>
    %div3A = vector.broadcast %broadcast_in_dim3A_5 : vector<8192x1xf32> to vector<8192x16xf32>
    %div3A_6 = arith.divf %exp3A, %div3A : vector<8192x16xf32>
    %get3A_7 = arith.constant 0 : index
    %get3A_8 = arith.constant 0 : index
    %get3A_9 = vector.load %arg1[%get3A_7, %get3A_8] : memref<4x16xf32, #tpu.memory_space<vmem>>, vector<4x16xf32>
    %dot_general3A = arith.constant dense<0.000000e+00> : vector<4x8192xf32>
    %dot_general3A_10 = tpu.matmul %get3A_9, %div3A_6, %dot_general3A {dimension_numbers = #tpu.dot_dimension_numbers<[1], [1], [0], [0], [0, 0, 1, 0], [], []>, precision = #tpu.contract_precision<fp32>, transpose_lhs_hint = false} : vector<4x16xf32>, vector<8192x16xf32>, vector<4x8192xf32> -> vector<4x8192xf32>
    %swap3A = arith.constant 0 : index
    %swap3A_11 = arith.constant 0 : index
    %swap3A_12 = vector.load %arg4[%swap3A, %swap3A_11] : memref<4x8192xf32, #tpu.memory_space<vmem>>, vector<4x8192xf32>
    tpu.vector_store %arg4[%swap3A, %swap3A_11], %dot_general3A_10 {strides = array<i32>} : memref<4x8192xf32, #tpu.memory_space<vmem>>, vector<4x8192xf32>,
    %get3A_13 = arith.constant 0 : index
    %get3A_14 = arith.constant 0 : index
    %get3A_15 = vector.load %arg2[%get3A_13, %get3A_14] : memref<1x8192xi32, #tpu.memory_space<vmem>>, vector<1x8192xi32>
    %get3A_16 = arith.constant 0 : index
    %get3A_17 = arith.constant 0 : index
    %get3A_18 = vector.load %arg3[%get3A_16, %get3A_17] : memref<1x8192xi32, #tpu.memory_space<vmem>>, vector<1x8192xi32>
    %shift_left3A = arith.constant 12 : i32
    %shift_left3A_19 = vector.broadcast %shift_left3A : i32 to vector<1x8192xi32>
    %shift_left3A_20 = arith.shli %get3A_18, %shift_left3A_19 : vector<1x8192xi32>
    %add3A = arith.addi %get3A_15, %shift_left3A_20 : vector<1x8192xi32>
    %swap3A_21 = arith.constant 0 : index
    %swap3A_22 = arith.constant 0 : index
    %swap3A_23 = vector.load %arg5[%swap3A_21, %swap3A_22] : memref<1x8192xi32, #tpu.memory_space<vmem>>, vector<1x8192xi32>
    tpu.vector_store %arg5[%swap3A_21, %swap3A_22], %add3A {strides = array<i32>} : memref<1x8192xi32, #tpu.memory_space<vmem>>, vector<1x8192xi32>,
    return
  }
}

</mosaic_0001>

<sc_bundles>
// kernel: kernel.4.cloned.1.call-start
scs
__scs_entry_jumppad:
0x0: {  	(pc) =	sbr.rel $0x88, $3  }
0x1: {  	(tag) =	ssettag $0x0;
	lr =	simm.s32 $0x1  }
0x2: {  	[smem:$0x3F9D] =	sst lr;
	_ =	strace $0xD0000000  }
0x3: {  	_ = 	snop  }
0x4: {  	_ = 	snop  }
0x5: {  	_ = 	snop  }
0x6: {  	_ = 	snop  }
0x7: {  	_ = 	snop  }
__scs_overlays_trampoline_lowered:
0x8: {  	[smem:$0x3FAC] =	sst s0  }
0x9: {  	[smem:$0x3FAD] =	sst s1  }
0xa: {  	[smem:$0x3FAE] =	sst s2  }
0xb: {  	[smem:$0x3FAF] =	sst s3  }
0xc: {  	[smem:$0x3FB0] =	sst s4  }
0xd: {  	[smem:$0x3FB1] =	sst s5  }
0xe: {  	[smem:$0x3FB2] =	sst s6  }
0xf: {  	[smem:$0x3FB3] =	sst s7  }
0x10: {  	[smem:$0x3FB4] =	sst s8  }
0x11: {  	[smem:$0x3FB5] =	sst s9;
	s0 =	simm.s32 @!p0 $0x0  }
0x12: {  	s1 =	sld [smem:$0x3F9B];
	s0 =	simm.s32 @p0 $0x1  }
0x13: {  	[smem:$0x3FB6] =	sst s0;
	s0 =	simm.s32 @!p1 $0x0  }
0x14: {  	s2 =	sld [smem:$0x3F9A];
	s0 =	simm.s32 @p1 $0x1  }
0x15: {  	[smem:$0x3FB7] =	sst s0;
	s0 =	simm.s32 @!p2 $0x0  }
0x16: {  	s3 =	sld [smem:$0x3FDB];
	s0 =	simm.s32 @p2 $0x1  }
0x17: {  	s4 =	simm.s32 $0x1BF5;
	[smem:$0x3FB9] =	sst s0  }
0x18: {  	s0 =	sld [smem:$0x3F9C];
	_ =	swait.ge [sflag:s4], $0x0  }
0x19: {  	s7 =	sld [smem:$0x3F9D]  }
0x1a: {  	s8 =	sadd.s32 $0xFFFFE003, lr  }
0x1b: {  	s9 =	sadd.s32 $0xFFFFFEF7, lr;
	s5 =	simm.s32 $0xFFFFFFFF;
	p2 =	slt.u32 s8, $0xFFFFF086  }
0x1c: {  	p1 =	slt.u32 s9, $0xF7A;
	s5 =	simm.s32 @!p2 $0x0  }
0x1d: {  	s5 =	simm.s32 @p1 $0x1;
	p0 =	seq.s32 s7, s2  }
0x1e: {  	s7 =	smul.u32 @!p0 $0xF7A, s2;
	p2 =	seq.s32 @!p0 s5, $0x0  }
0x1f: {  	s9 =	smul.u32 $0xF7A, s1;
	s8 =	simm.s32 @!p0 $0x1BF5;
	p2 =	por !p2, p0  }
0x20: {  	[sflag:s8] =	ssyncset.s32 @!p0 $0xFFFFF086;
	s6 =	sadd.s32 @!p0 s3, s7;
	s7 =	simm.s32 @!p0 $0x108  }
0x21: {  	s3 =	sadd.s32 s3, s9;
	s6 =	sadd.s32 @!p0 $0x88, s6;
	s7 =	simm.s32 @p2 $0x1082  }
0x22: {  	[simem:s7], [sflag:s8] =	dma.local @!p0 [hbm:s6], $0xF7A  }
0x23: {  	s9 =	sor.u32 $0xD0000000, s2;
	s6 =	simm.s32 $0x108;
	_ =	swait.ge @!p0 [sflag:s8], $0x0  }
0x24: {  	s3 =	sadd.s32 $0x88, s3;
	s6 =	simm.s32 @!p1 $0x1082;
	[sflag:s4] =	ssyncset.s32 $0xFFFFF086  }
0x25: {  	[simem:s6], [sflag:s4] =	dma.local [hbm:s3], $0xF7A  }
0x26: {  	[smem:$0x3F9D] =	sst s1;
	(tag) =	ssettag s2;
	_ =	strace s9  }
0x27: {  	s1 =	sld [smem:$0x3FAD]  }
0x28: {  	s2 =	sld [smem:$0x3FAE]  }
0x29: {  	s4 =	sld [smem:$0x3FB0]  }
0x2a: {  	p0 =	seq.s32 s5, $0x0;
	s5 =	sld [smem:$0x3FB1]  }
0x2b: {  	s6 =	sld [smem:$0x3FB2]  }
0x2c: {  	s7 =	sld [smem:$0x3FB3]  }
0x2d: {  	s3 =	simm.s32 $0x108;
	s8 =	sld [smem:$0x3FB4]  }
0x2e: {  	s3 =	simm.s32 @!p0 $0x1082;
	s9 =	sld [smem:$0x3FB5]  }
0x2f: {  	lr =	sadd.s32 s0, s3;
	s0 =	sld [smem:$0x3FAC]  }
0x30: {  	s3 =	sld [smem:$0x3FAF]  }
0x31: {  	[smem:$0x3FB8] =	sst s10  }
0x32: {  	s10 =	sld [smem:$0x3FB6];
	_ =	sdelay $0x3  }
0x33: {  	p0 =	seq.s32 s10, $0x1;
	s10 =	sld [smem:$0x3FB8];
	_ =	sdelay $0x3  }
0x34: {  	[smem:$0x3FB8] =	sst s10  }
0x35: {  	s10 =	sld [smem:$0x3FB7];
	_ =	sdelay $0x3  }
0x36: {  	p1 =	seq.s32 s10, $0x1;
	s10 =	sld [smem:$0x3FB8];
	_ =	sdelay $0x3  }
0x37: {  	[smem:$0x3FB8] =	sst s10  }
0x38: {  	s10 =	sld [smem:$0x3FB9]  }
0x39: {  	_ = 	snop;
	(pc) =	sbr.ind lr, $3  }
0x3a: {  	_ = 	snop  }
0x3b: {  	_ = 	snop  }
0x3c: {  	p2 =	seq.s32 s10, $0x1;
	s10 =	sld [smem:$0x3FB8]  }
0x3d: {  	_ =	shalt  }
0x3e: {  	_ =	shalt  }
0x3f: {  	_ =	shalt  }
0x40: {  	_ =	shalt  }
0x41: {  	_ =	shalt  }
0x42: {  	_ =	shalt  }
0x43: {  	_ =	shalt  }
0x44: {  	_ =	shalt  }
0x45: {  	_ =	shalt  }
0x46: {  	_ =	shalt  }
0x47: {  	_ =	shalt  }
0x48: {  	_ =	shalt  }
0x49: {  	_ =	shalt  }
0x4a: {  	_ =	shalt  }
0x4b: {  	_ =	shalt  }
0x4c: {  	_ =	shalt  }
0x4d: {  	_ =	shalt  }
0x4e: {  	_ =	shalt  }
0x4f: {  	_ =	shalt  }
0x50: {  	_ =	shalt  }
0x51: {  	_ =	shalt  }
0x52: {  	_ =	shalt  }
0x53: {  	_ =	shalt  }
0x54: {  	_ =	shalt  }
0x55: {  	_ =	shalt  }
0x56: {  	_ =	shalt  }
0x57: {  	_ =	shalt  }
0x58: {  	_ =	shalt  }
0x59: {  	_ =	shalt  }
0x5a: {  	_ =	shalt  }
0x5b: {  	_ =	shalt  }
0x5c: {  	_ =	shalt  }
0x5d: {  	_ =	shalt  }
0x5e: {  	_ =	shalt  }
0x5f: {  	_ =	shalt  }
0x60: {  	_ =	shalt  }
0x61: {  	_ =	shalt  }
0x62: {  	_ =	shalt  }
0x63: {  	_ =	shalt  }
0x64: {  	_ =	shalt  }
0x65: {  	_ =	shalt  }
0x66: {  	_ =	shalt  }
0x67: {  	_ =	shalt  }
0x68: {  	_ =	shalt  }
0x69: {  	_ =	shalt  }
0x6a: {  	_ =	shalt  }
0x6b: {  	_ =	shalt  }
0x6c: {  	_ =	shalt  }
0x6d: {  	_ =	shalt  }
0x6e: {  	_ =	shalt  }
0x6f: {  	_ =	shalt  }
0x70: {  	_ =	shalt  }
0x71: {  	_ =	shalt  }
0x72: {  	_ =	shalt  }
0x73: {  	_ =	shalt  }
0x74: {  	_ =	shalt  }
0x75: {  	_ =	shalt  }
0x76: {  	_ =	shalt  }
0x77: {  	_ =	shalt  }
0x78: {  	_ =	shalt  }
0x79: {  	_ =	shalt  }
0x7a: {  	_ =	shalt  }
0x7b: {  	_ =	shalt  }
0x7c: {  	_ =	shalt  }
0x7d: {  	_ =	shalt  }
0x7e: {  	_ =	shalt  }
0x7f: {  	_ =	shalt  }
0x80: {  	_ =	shalt  }
0x81: {  	_ =	shalt  }
0x82: {  	_ =	shalt  }
0x83: {  	_ =	shalt  }
0x84: {  	_ =	shalt  }
0x85: {  	_ =	shalt  }
0x86: {  	_ =	shalt  }
0x87: {  	_ =	shalt  }
.Lfunc_end0:
.L_simem_size_0:
called_computation_lowered:
.L_overlay_start_0:
0x88: {  	s2 =	sld [smem:$0x3FD9]  }
0x89: {  	s3 =	sld [smem:$0x3FFE];
	_ =	sdelay $0x1  }
0x8a: {  	s1 =	srdreg.scid  }
0x8b: {  	s0 =	sand.u32 $0x1, s1  }
0x8c: {  	s17 =	sshll.u32 s0, $0xA;
	s2 =	sadd.s32 s3, s2  }
0x8d: {  	s2 =	sadd.s32 s2, s17  }
0x8e: {  	[smem:$0x3FC4] =	sst s2  }
0x8f: {  	_ = 	snop  }
0x90: {  	s2 =	sld [smem:$0x3FC9]  }
0x91: {  	s18 =	sld [smem:$0x3FD0];
	(tm) =	ssettm $0x1  }
0x92: {  	s4 =	sld [smem:$0x3FFB];
	_ =	sdelay $0x3  }
0x93: {  	_ =	strace s4  }
0x94: {  	s4 =	sld [smem:$0x3FFC];
	_ =	sdelay $0x3  }
0x95: {  	_ =	strace s4  }
0x96: {  	s4 =	sld [smem:$0x3FFD];
	_ =	sdelay $0x3  }
0x97: {  	_ =	strace s4  }
0x98: {  	_ =	strace $0x8FFFFFFF  }
0x99: {  	s19 =	sld [smem:$0x3FDB];
	_ =	sdelay $0x1  }
0x9a: {  	s5 =	simm.s32 $_scs_section_size  }
0x9b: {  	s6 =	simm.s32 $_size__tile_overlayer_lowered;
	s7 =	simm.s32 $_tile_overlayer_lowered  }
0x9c: {  	s22 =	simm.s32 $0x1BFF;
	s21 =	sshll.u32 s7, $0x1;
	s4 =	sadd.s32 s5, s19  }
0x9d: {  	s8 =	simm.s32 $0x0;
	s20 =	sshll.u32 s6, $0x1;
	s6 =	sadd.s32 s21, s4  }
0x9e: {  	[timem:s8], [sflag:s22] =	dma.local [hbm:s6], s20  }
0x9f: {  	_ =	swait.ge [sflag:s22], s20  }
0xa0: {  	s5 =	ssub.s32 $0x0, s20;
	[sflag:s22] =	ssyncset.done $0x0  }
0xa1: {  	[sflag:s22] =	ssyncadd.s32 s5;
	_ =	sdelay $0x1  }
0xa2: {  	s23 =	simm.s32 $0x1B8B  }
0xa3: {  	_ =	swait.ge [sflag:s23], $0x1  }
0xa4: {  	[sflag:s23] =	ssyncset.done $0x0  }
0xa5: {  	s25 =	simm.s32 $0x1B8E;
	s24 =	sld [smem:$0x3FFE];
	[sflag:s23] =	ssyncadd.s32 $0xFFFFFFFF  }
0xa6: {  	s26 =	simm.s32 $execute0_lowered;
	[smem:$0x3FD2] =	sst s25  }
0xa7: {  	s6 =	sshll.u32 s26, $0x1;
	_ =	strace $0x80000046;
	[dreg:$0x1] =	wrdreg $0xFFFFFFFF  }
0xa8: {  	s28 =	simm.s32 $_size_execute0_lowered;
	s4 =	sadd.s32 s4, s6;
	[dreg:$0x0] =	wrdreg $0x0  }
0xa9: {  	s6 =	sshll.u32 s28, $0x1;
	[dreg:$0x2] =	wrdreg s4  }
0xaa: {  	[dreg:$0x3] =	wrdreg s6  }
0xab: {  	[dreg:$0x4] =	wrdreg $0xC0  }
0xac: {  	_ =	task [dreg:s8], $0x5FFFF  }
0xad: {  	[dreg:$0x1] =	wrdreg $0xFFFFFFFF  }
0xae: {  	[dreg:$0x0] =	wrdreg $0x60  }
0xaf: {  	[dreg:$0x2] =	wrdreg s2  }
0xb0: {  	[dreg:$0x3] =	wrdreg s24  }
0xb1: {  	[dreg:$0x4] =	wrdreg s18  }
0xb2: {  	[dreg:$0x5] =	wrdreg $0x9  }
0xb3: {  	_ =	task.clear_ibuf [dreg:s8], $0x6FFFF;
	_ =	strace $0x90000046  }
0xb4: {  	s29 =	simm.s32 $0x9;
	_ =	strace $0x80000048  }
0xb5: {  	_ =	swait.ge [sflag:s29], $0x1  }
0xb6: {  	[sflag:s29] =	ssyncadd.s32 $0xFFFFFFFF  }
0xb7: {  	_ =	strace $0x90000048  }
0xb8: {  	_ =	sfence  }
0xb9: {  	s30 =	sld [smem:$0x0];
	_ =	sdelay $0x2  }
0xba: {  	s31 =	sshll.u32 s1, $0xD;
	s1 =	sshrl.u32 s1, $0x2  }
0xbb: {  	s3 =	sand.u32 $0x4000, s31;
	s1 =	sadd.s32 s1, s30  }
0xbc: {  	s0 =	sor.u32 s3, s0;
	s1 =	sshll.u32 s1, $0x11  }
0xbd: {  	s0 =	sor.u32 s1, s0  }
0xbe: {  	s0 =	sadd.s32 $0x8F2B, s0  }
0xbf: {  	[sflag:s0] =	ssyncadd.remote.s32 $0x1  }
0xc0: {  	_ =	sfence.sel $0xFFFF  }
0xc1: {  	[dreg:$0x0] =	wrdreg $0xFFFFFFFF;
	(pc) =	sbr.abs _section_cstart, $3  }
0xc2: {  	[dreg:$0x1] =	wrdreg $0xFFFFFFFF  }
0xc3: {  	_ =	task.clear_ibuf [dreg:s8], $0x2FFFF;
	_ =	strace $0x9FFFFFFF  }
0xc4: {  	(tm) =	ssettm $0x7FFFFFFF  }
0xc5: {  	_ =	shalt  }
tec
execute0_lowered:
.L_overlay_start_1:
0x0: {  	(tag) =	ssettag $0x1  }
0x1: {  	s0 =	rddreg [dreg:$0x0]  }
0x2: {  	s1 =	rddreg [dreg:$0x1]  }
0x3: {  	s2 =	rddreg [dreg:$0x2];
	s3 =	simm.s32 $0x0  }
0x4: {  	[smem:$0x7FF] =	sst s3;
	s12 =	sadd.s32 $0x2000, s1  }
0x5: {  	s7 =	sadd.s32 $0x1000, s1;
	_ =	strace $0x80000047;
	[dreg:$0x5] =	wrdreg s12  }
0x6: {  	s20 =	sadd.s32 $0x1010, s1;
	[dreg:$0x6] =	wrdreg s7  }
0x7: {  	s21 =	sadd.s32 $0x1020, s1;
	[dreg:$0xe] =	wrdreg s20  }
0x8: {  	s1 =	sadd.s32 $0x1030, s1;
	[dreg:$0xf] =	wrdreg s21  }
0x9: {  	s22 =	sadd.s32 $0x1000, s0;
	[dreg:$0x10] =	wrdreg s1  }
0xa: {  	s23 =	sadd.s32 $0x1010, s0;
	[dreg:$0x11] =	wrdreg s22  }
0xb: {  	s4 =	srdreg.scid;
	s24 =	sadd.s32 $0x1020, s0;
	[dreg:$0x12] =	wrdreg s23  }
0xc: {  	s5 =	stileid.u32;
	s25 =	sadd.s32 $0x1030, s0;
	[dreg:$0x13] =	wrdreg s24  }
0xd: {  	s4 =	sand.u32 $0x1, s4;
	s26 =	sadd.s32 $0x1040, s0;
	[dreg:$0x14] =	wrdreg s25  }
0xe: {  	s5 =	sshll.u32 s5, $0x7;
	s28 =	sadd.s32 $0x1050, s0;
	[dreg:$0x15] =	wrdreg s26  }
0xf: {  	s29 =	sadd.s32 $0x1060, s0;
	s6 =	sshll.u32 s4, $0x6;
	[dreg:$0x16] =	wrdreg s28  }
0x10: {  	s4 =	ssub.s32 $0x2, s4;
	[dreg:$0x17] =	wrdreg s29;
	s6 =	sor.u32 s6, s5  }
0x11: {  	s13 =	sshrl.u32 s4, $0x1;
	[dreg:$0x4] =	wrdreg s6;
	s6 =	sshll.u32 s6, $0x9  }
0x12: {  	s4 =	ssub.s32 s4, s13;
	s14 =	sadd.s32 s0, s6;
	s0 =	sadd.s32 $0x1070, s0  }
0x13: {  	s30 =	smax.u32 s4, $0x1;
	[dreg:$0x18] =	wrdreg s0  }
0x14: {  	[dreg:$0x19] =	wrdreg s30  }
0x15: {  	s6 =	sadd.s32 $0x10, s14;
	[dreg:$0x7] =	wrdreg s14  }
0x16: {  	s15 =	sadd.s32 $0x20, s14;
	[dreg:$0x8] =	wrdreg s6  }
0x17: {  	s16 =	sadd.s32 $0x30, s14;
	[dreg:$0x9] =	wrdreg s15  }
0x18: {  	s17 =	sadd.s32 $0x40, s14;
	[dreg:$0xa] =	wrdreg s16  }
0x19: {  	s18 =	sadd.s32 $0x50, s14;
	[dreg:$0xb] =	wrdreg s17  }
0x1a: {  	s19 =	sadd.s32 $0x60, s14;
	[dreg:$0xc] =	wrdreg s18  }
0x1b: {  	s31 =	sadd.s32 $0x70, s14;
	[dreg:$0xd] =	wrdreg s19  }
0x1c: {  	s4 =	simm.s32 $0x0;
	[dreg:$0x1a] =	wrdreg s31  }
.LBB2_1:
0x1d: {  	[dreg:$0x1b] =	wrdreg s4  }
0x1e: {  	s0 =	rddreg [dreg:$0x7];
	s1 =	simm.s32 $0x80;
	s6 =	simm.s32 $0x400  }
0x1f: {  	[tilespmem:s3], [sflag:$0x1] =	stream.strided.gather [hbm4b:s0+s1], $0x1000, s6, s1, $0x38;
	[tilespmem:$0x1E000] =	vst v63  }
0x20: {  	s7 =	rddreg [dreg:$0x8];
	s5 =	simm.s32 $0x1000  }
0x21: {  	[tilespmem:s5], [sflag:$0x1] =	stream.strided.gather [hbm4b:s7+s1], $0x1000, s6, s1, $0x38;
	[tilespmem:$0x1E000] =	vst v63  }
0x22: {  	s8 =	rddreg [dreg:$0x9];
	s9 =	simm.s32 $0x2000  }
0x23: {  	[tilespmem:s9], [sflag:$0x1] =	stream.strided.gather [hbm4b:s8+s1], $0x1000, s6, s1, $0x38;
	[tilespmem:$0x1E000] =	vst v63  }
0x24: {  	s10 =	rddreg [dreg:$0xa];
	s11 =	simm.s32 $0x3000  }
0x25: {  	[tilespmem:s11], [sflag:$0x1] =	stream.strided.gather [hbm4b:s10+s1], $0x1000, s6, s1, $0x38;
	[tilespmem:$0x1E000] =	vst v63  }
0x26: {  	s12 =	rddreg [dreg:$0xb];
	s13 =	simm.s32 $0x4000  }
0x27: {  	[tilespmem:s13], [sflag:$0x1] =	stream.strided.gather [hbm4b:s12+s1], $0x1000, s6, s1, $0x38;
	[tilespmem:$0x1E000] =	vst v63  }
0x28: {  	s14 =	rddreg [dreg:$0xc];
	s15 =	simm.s32 $0x5000  }
0x29: {  	[tilespmem:s15], [sflag:$0x1] =	stream.strided.gather [hbm4b:s14+s1], $0x1000, s6, s1, $0x38;
	[tilespmem:$0x1E000] =	vst v63  }
0x2a: {  	s16 =	rddreg [dreg:$0xd];
	s17 =	simm.s32 $0x6000  }
0x2b: {  	[tilespmem:s17], [sflag:$0x1] =	stream.strided.gather [hbm4b:s16+s1], $0x1000, s6, s1, $0x38;
	[tilespmem:$0x1E000] =	vst v63  }
0x2c: {  	s18 =	rddreg [dreg:$0x1a];
	s19 =	simm.s32 $0x7000  }
0x2d: {  	[tilespmem:s19], [sflag:$0x1] =	stream.strided.gather [hbm4b:s18+s1], $0x1000, s6, s1, $0x38;
	[tilespmem:$0x1E000] =	vst v63  }
0x2e: {  	s20 =	rddreg [dreg:$0x5];
	s21 =	simm.s32 $0x10000;
	s22 =	simm.s32 $0x4  }
0x2f: {  	[tilespmem:s21], [sflag:$0x4] =	stream.linear.gather [hbm4b:s20+s3], $0x2000, $0x38;
	[tilespmem:$0x1E000] =	vst v63  }
0x30: {  	_ =	swait.ge [sflag:s22], $0x2000  }
0x31: {  	s24 =	simm.s32 $0x200;
	[sflag:s22] =	ssyncset.done $0x0  }
0x32: {  	s6 =	simm.s32 $0x12000;
	s23 =	rddreg [dreg:$0x6];
	[sflag:s22] =	ssyncadd.s32 $0xFFFFE000  }
0x33: {  	[tilespmem:s6], [sflag:$0x4] =	stream.strided.gather [hbm4b:s23+s1], $0x2000, s24, s1, $0x38;
	[tilespmem:$0x1E000] =	vst v63  }
0x34: {  	_ =	swait.ge [sflag:s22], $0x2000  }
0x35: {  	[sflag:s22] =	ssyncset.done $0x0  }
0x36: {  	s26 =	simm.s32 $0x14000;
	s25 =	rddreg [dreg:$0xe];
	[sflag:s22] =	ssyncadd.s32 $0xFFFFE000  }
0x37: {  	[tilespmem:s26], [sflag:$0x4] =	stream.strided.gather [hbm4b:s25+s1], $0x2000, s24, s1, $0x38;
	[tilespmem:$0x1E000] =	vst v63  }
0x38: {  	_ =	swait.ge [sflag:s22], $0x2000  }
0x39: {  	[sflag:s22] =	ssyncset.done $0x0  }
0x3a: {  	s29 =	simm.s32 $0x16000;
	s28 =	rddreg [dreg:$0xf];
	[sflag:s22] =	ssyncadd.s32 $0xFFFFE000  }
0x3b: {  	[tilespmem:s29], [sflag:$0x4] =	stream.strided.gather [hbm4b:s28+s1], $0x2000, s24, s1, $0x38;
	[tilespmem:$0x1E000] =	vst v63  }
0x3c: {  	_ =	swait.ge [sflag:s22], $0x2000  }
0x3d: {  	[sflag:s22] =	ssyncset.done $0x0  }
0x3e: {  	s31 =	simm.s32 $0x18000;
	s30 =	rddreg [dreg:$0x10];
	[sflag:s22] =	ssyncadd.s32 $0xFFFFE000  }
0x3f: {  	[tilespmem:s31], [sflag:$0x4] =	stream.strided.gather [hbm4b:s30+s1], $0x2000, s24, s1, $0x38;
	[tilespmem:$0x1E000] =	vst v63  }
0x40: {  	_ =	swait.ge [sflag:s22], $0x2000  }
0x41: {  	[sflag:s22] =	ssyncset.done $0x0  }
0x42: {  	s5 =	simm.s32 $0x0;
	[sflag:s22] =	ssyncadd.s32 $0xFFFFE000  }
.LBB2_2:
0x43: {  	s4 =	simm.s32 $0x1  }
0x44: {  	_ =	swait.ge [sflag:s4], $0x1000  }
0x45: {  	[sflag:s4] =	ssyncset.done $0x0  }
0x46: {  	[sflag:s4] =	ssyncadd.s32 $0xFFFFF000  }
0x47: {  	_ =	swait.ge [sflag:s4], $0x1000  }
0x48: {  	[sflag:s4] =	ssyncset.done $0x0  }
0x49: {  	[sflag:s4] =	ssyncadd.s32 $0xFFFFF000  }
0x4a: {  	_ =	swait.ge [sflag:s4], $0x1000  }
0x4b: {  	[sflag:s4] =	ssyncset.done $0x0  }
0x4c: {  	[sflag:s4] =	ssyncadd.s32 $0xFFFFF000  }
0x4d: {  	_ =	swait.ge [sflag:s4], $0x1000  }
0x4e: {  	[sflag:s4] =	ssyncset.done $0x0  }
0x4f: {  	[sflag:s4] =	ssyncadd.s32 $0xFFFFF000  }
0x50: {  	_ =	swait.ge [sflag:s4], $0x1000  }
0x51: {  	s9 =	sshll.u32 s5, $0x3;
	[sflag:s4] =	ssyncset.done $0x0  }
0x52: {  	s1 =	sshll.u32 s5, $0xF;
	p0 =	seq.s32 s5, $0x7;
	[sflag:s4] =	ssyncadd.s32 $0xFFFFF000  }
0x53: {  	s31 =	simm.s32 $0x14000;
	s29 =	simm.s32 $0x16000;
	_ =	swait.ge [sflag:s4], $0x1000  }
0x54: {  	s28 =	simm.s32 $0x18000;
	s11 =	sand.u32 $0x8000, s1;
	[sflag:s4] =	ssyncset.done $0x0  }
0x55: {  	s6 =	simm.s32 @!p0 $0x80;
	s7 =	simm.s32 @!p0 $0x400;
	[sflag:s4] =	ssyncadd.s32 $0xFFFFF000  }
0x56: {  	s12 =	sor.u32 $0x1000, s11;
	s13 =	sor.u32 $0x2000, s11;
	_ =	swait.ge [sflag:s4], $0x1000  }
0x57: {  	s14 =	sor.u32 $0x3000, s11;
	s15 =	sor.u32 $0x4000, s11;
	[sflag:s4] =	ssyncset.done $0x0  }
0x58: {  	s16 =	sor.u32 $0x5000, s11;
	s25 =	sor.u32 $0x6000, s11;
	[sflag:s4] =	ssyncadd.s32 $0xFFFFF000  }
0x59: {  	s26 =	sor.u32 $0x7000, s11;
	s0 =	rddreg [dreg:$0x4];
	_ =	swait.ge [sflag:s4], $0x1000  }
0x5a: {  	s10 =	sor.u32 s0, s9;
	[dreg:$0x1c] =	wrdreg s5;
	[sflag:s4] =	ssyncset.done $0x0  }
0x5b: {  	s1 =	sshll.u32 @!p0 s10, $0x9;
	s0 =	rddreg [dreg:$0x11];
	[sflag:s4] =	ssyncadd.s32 $0xFFFFF000  }
0x5c: {  	s4 =	ssub.s32 @!p0 $0x8000, s11;
	s5 =	sadd.s32 @!p0 s1, s0;
	s0 =	rddreg [dreg:$0x12]  }
0x5d: {  	[tilespmem:s4], [sflag:$0x1] =	stream.strided.gather @!p0 [hbm4b:s5+s6], $0x1000, s7, s6, $0x38;
	[tilespmem:$0x1E000] =	vst v63  }
0x5e: {  	s4 =	ssub.s32 @!p0 $0x9000, s11;
	s5 =	sadd.s32 @!p0 s1, s0;
	s0 =	rddreg [dreg:$0x13]  }
0x5f: {  	[tilespmem:s4], [sflag:$0x1] =	stream.strided.gather @!p0 [hbm4b:s5+s6], $0x1000, s7, s6, $0x38;
	[tilespmem:$0x1E000] =	vst v63  }
0x60: {  	s4 =	ssub.s32 @!p0 $0xA000, s11;
	s5 =	sadd.s32 @!p0 s1, s0;
	s0 =	rddreg [dreg:$0x14]  }
0x61: {  	[tilespmem:s4], [sflag:$0x1] =	stream.strided.gather @!p0 [hbm4b:s5+s6], $0x1000, s7, s6, $0x38;
	[tilespmem:$0x1E000] =	vst v63  }
0x62: {  	s4 =	ssub.s32 @!p0 $0xB000, s11;
	s5 =	sadd.s32 @!p0 s1, s0;
	s0 =	rddreg [dreg:$0x15]  }
0x63: {  	[tilespmem:s4], [sflag:$0x1] =	stream.strided.gather @!p0 [hbm4b:s5+s6], $0x1000, s7, s6, $0x38;
	[tilespmem:$0x1E000] =	vst v63  }
0x64: {  	s4 =	ssub.s32 @!p0 $0xC000, s11;
	s5 =	sadd.s32 @!p0 s1, s0;
	s0 =	rddreg [dreg:$0x16]  }
0x65: {  	[tilespmem:s4], [sflag:$0x1] =	stream.strided.gather @!p0 [hbm4b:s5+s6], $0x1000, s7, s6, $0x38;
	[tilespmem:$0x1E000] =	vst v63  }
0x66: {  	s4 =	ssub.s32 @!p0 $0xD000, s11;
	s5 =	sadd.s32 @!p0 s1, s0;
	s0 =	rddreg [dreg:$0x17]  }
0x67: {  	[tilespmem:s4], [sflag:$0x1] =	stream.strided.gather @!p0 [hbm4b:s5+s6], $0x1000, s7, s6, $0x38;
	[tilespmem:$0x1E000] =	vst v63  }
0x68: {  	s4 =	ssub.s32 @!p0 $0xE000, s11;
	s5 =	sadd.s32 @!p0 s1, s0;
	s0 =	rddreg [dreg:$0x18]  }
0x69: {  	[tilespmem:s4], [sflag:$0x1] =	stream.strided.gather @!p0 [hbm4b:s5+s6], $0x1000, s7, s6, $0x38;
	[tilespmem:$0x1E000] =	vst v63  }
0x6a: {  	s1 =	sadd.s32 @!p0 s1, s0;
	s4 =	ssub.s32 @!p0 $0xF000, s11;
	s5 =	simm.s32 $0x12000  }
0x6b: {  	[tilespmem:s4], [sflag:$0x1] =	stream.strided.gather @!p0 [hbm4b:s1+s6], $0x1000, s7, s6, $0x38;
	[tilespmem:$0x1E000] =	vst v63  }
0x6c: {  	s7 =	simm.s32 $0x0;
	s1 =	simm.s32 $0x10000;
	s6 =	simm.s32 $0x0  }
.LBB2_3:
0x6d: {  	s4 =	sor.u32 s9, s6  }
0x6e: {  	s30 =	sand.u32 $0x1, s6;
	v24 =	vmov s1;
	p0 =	slt.u32 s4, $0x2  }
0x6f: {  	s4 =	sor.u32 @!p0 $0x2, s30  }
0x70: {  	_ =	swait.ge @!p0 [sflag:s4], $0x2000  }
0x71: {  	[sflag:s4] =	ssyncset.done @!p0 $0x0  }
0x72: {  	s18 =	simm.s32 $0x0;
	[sflag:s4] =	ssyncadd.s32 @!p0 $0xFFFFE000  }
0x73: {  	v0 =	vld.idx.msk [tilespmem:v24+s18+$0x0 ss:$0x1], $0xffff;
	_ =	sdelay $0x2  }
0x74: {  	v26 =	vmov s29  }
0x75: {  	v28 =	vmov s31  }
0x76: {  	v31 =	vand.u32 $0xFFF, v0  }
0x77: {  	v27 =	vmov s5  }
0x78: {  	v30 =	vshra.s32 v0, $0xC  }
0x79: {  	v34 =	vld.idx.msk [tilespmem:v26+s18+$0x0 ss:$0x1], $0xffff  }
0x7a: {  	v29 =	vmov s28;
	v36 =	vld.idx.msk [tilespmem:v28+s18+$0x0 ss:$0x1], $0xffff  }
0x7b: {  	v1 =	vld.idx.msk [tilespmem:v31+s11+$0x0], $0xffff  }
0x7c: {  	v35 =	vld.idx.msk [tilespmem:v27+s18+$0x0 ss:$0x1], $0xffff  }
0x7d: {  	v2 =	vld.idx.msk [tilespmem:v30+s11+$0x0], $0xffff;
	_ =	sdelay $0x1  }
0x7e: {  	v0 =	vld.idx.msk [tilespmem:v29+s18+$0x0 ss:$0x1], $0xffff  }
0x7f: {  	v3 =	vmul.f32 v1, v36;
	_ =	sdelay $0x1  }
0x80: {  	v4 =	vmul.f32 v2, v34;
	v1 =	vmul.f32 v2, v1;
	v2 =	vadd.f32 v3, v35;
	_ =	sdelay $0x1  }
0x81: {  	s19 =	sshll.u32 s30, $0xD;
	v1 =	vmul.f32 v1, v0;
	v2 =	vadd.f32 v4, v2  }
0x82: {  	s8 =	sand.u32 $0x1C00, s7;
	s4 =	sadd.s32 $0x1A000, s19  }
0x83: {  	s17 =	sand.u32 $0x70, s7;
	s8 =	sadd.s32 s8, s4;
	s18 =	simm.s32 $0x10;
	v1 =	vadd.f32 v1, v2  }
0x84: {  	s17 =	sadd.s32 s17, s8;
	v2 =	vld.idx.msk [tilespmem:v24+s18+$0x0 ss:$0x1], $0xffff  }
0x85: {  	[tilespmem:s17+$0x0] =	vst v1  }
0x86: {  	v1 =	vld.idx.msk [tilespmem:v31+s12+$0x0], $0xffff;
	_ =	sdelay $0x1  }
0x87: {  	v3 =	vld.idx.msk [tilespmem:v30+s12+$0x0], $0xffff  }
0x88: {  	v6 =	vand.u32 $0xFFF, v2  }
0x89: {  	v5 =	vshra.s32 v2, $0xC  }
0x8a: {  	v4 =	vmul.f32 v1, v36  }
0x8b: {  	v2 =	vld.idx.msk [tilespmem:v26+s18+$0x0 ss:$0x1], $0xffff  }
0x8c: {  	v7 =	vmul.f32 v3, v34;
	v1 =	vmul.f32 v3, v1;
	v3 =	vld.idx.msk [tilespmem:v28+s18+$0x0 ss:$0x1], $0xffff;
	v4 =	vadd.f32 v4, v35  }
0x8d: {  	v8 =	vld.idx.msk [tilespmem:v6+s11+$0x0], $0xffff  }
0x8e: {  	v1 =	vmul.f32 v1, v0;
	v9 =	vld.idx.msk [tilespmem:v5+s11+$0x0], $0xffff;
	v7 =	vadd.f32 v7, v4  }
0x8f: {  	v4 =	vld.idx.msk [tilespmem:v27+s18+$0x0 ss:$0x1], $0xffff  }
0x90: {  	v7 =	vadd.f32 v1, v7  }
0x91: {  	v1 =	vld.idx.msk [tilespmem:v29+s18+$0x0 ss:$0x1], $0xffff  }
0x92: {  	[tilespmem:s17+$0x80] =	vst v7;
	v7 =	vmul.f32 v8, v3  }
0x93: {  	v10 =	vld.idx.msk [tilespmem:v31+s13+$0x0], $0xffff  }
0x94: {  	v11 =	vmul.f32 v9, v2;
	v8 =	vmul.f32 v9, v8;
	v9 =	vld.idx.msk [tilespmem:v30+s13+$0x0], $0xffff;
	v7 =	vadd.f32 v7, v4;
	_ =	sdelay $0x1  }
0x95: {  	s20 =	simm.s32 $0x80;
	v8 =	vmul.f32 v8, v1;
	v7 =	vadd.f32 v11, v7  }
0x96: {  	s21 =	simm.s32 $0x10;
	s8 =	sand.u32 $0x1C00, s20  }
0x97: {  	s8 =	sadd.s32 s8, s4;
	s18 =	sand.u32 $0x70, s21;
	v11 =	vmul.f32 v10, v36;
	v7 =	vadd.f32 v8, v7  }
0x98: {  	s19 =	simm.s32 $0x20;
	s18 =	sadd.s32 s18, s8;
	v8 =	vmul.f32 v9, v34  }
0x99: {  	v9 =	vmul.f32 v9, v10;
	v10 =	vld.idx.msk [tilespmem:v24+s19+$0x0 ss:$0x1], $0xffff;
	v11 =	vadd.f32 v11, v35;
	[tilespmem:s18+$0x0] =	vst v7  }
0x9a: {  	v13 =	vld.idx.msk [tilespmem:v6+s12+$0x0], $0xffff  }
0x9b: {  	v7 =	vadd.f32 v8, v11;
	v8 =	vmul.f32 v9, v0  }
0x9c: {  	v9 =	vld.idx.msk [tilespmem:v5+s12+$0x0], $0xffff  }
0x9d: {  	v7 =	vadd.f32 v8, v7  }
0x9e: {  	v12 =	vand.u32 $0xFFF, v10  }
0x9f: {  	v11 =	vshra.s32 v10, $0xC;
	v10 =	vld.idx.msk [tilespmem:v28+s19+$0x0 ss:$0x1], $0xffff;
	[tilespmem:s17+$0x100] =	vst v7;
	v8 =	vmul.f32 v13, v3  }
0xa0: {  	v14 =	vld.idx.msk [tilespmem:v31+s14+$0x0], $0xffff  }
0xa1: {  	v15 =	vmul.f32 v9, v2;
	v9 =	vmul.f32 v9, v13;
	v13 =	vld.idx.msk [tilespmem:v30+s14+$0x0], $0xffff;
	v8 =	vadd.f32 v8, v4  }
0xa2: {  	v7 =	vld.idx.msk [tilespmem:v26+s19+$0x0 ss:$0x1], $0xffff  }
0xa3: {  	v16 =	vld.idx.msk [tilespmem:v12+s11+$0x0], $0xffff;
	v8 =	vadd.f32 v15, v8;
	v15 =	vmul.f32 v9, v1  }
0xa4: {  	v17 =	vld.idx.msk [tilespmem:v11+s11+$0x0], $0xffff  }
0xa5: {  	v9 =	vld.idx.msk [tilespmem:v27+s19+$0x0 ss:$0x1], $0xffff;
	v18 =	vmul.f32 v14, v36;
	v15 =	vadd.f32 v15, v8  }
0xa6: {  	v19 =	vmul.f32 v13, v34  }
0xa7: {  	v13 =	vmul.f32 v13, v14;
	v8 =	vld.idx.msk [tilespmem:v29+s19+$0x0 ss:$0x1], $0xffff;
	v18 =	vadd.f32 v18, v35;
	[tilespmem:s18+$0x80] =	vst v15  }
0xa8: {  	s22 =	simm.s32 $0x30;
	v14 =	vmul.f32 v16, v10;
	v15 =	vld.idx.msk [tilespmem:v6+s13+$0x0], $0xffff  }
0xa9: {  	v20 =	vld.idx.msk [tilespmem:v24+s22+$0x0 ss:$0x1], $0xffff;
	v13 =	vmul.f32 v13, v0;
	v18 =	vadd.f32 v19, v18  }
0xaa: {  	v16 =	vmul.f32 v17, v16;
	v14 =	vadd.f32 v14, v9;
	v19 =	vmul.f32 v17, v7;
	v17 =	vld.idx.msk [tilespmem:v5+s13+$0x0], $0xffff  }
0xab: {  	v13 =	vadd.f32 v13, v18  }
0xac: {  	s23 =	simm.s32 $0x100;
	v16 =	vmul.f32 v16, v8;
	v14 =	vadd.f32 v19, v14  }
0xad: {  	s20 =	simm.s32 $0x20;
	s19 =	sand.u32 $0x1C00, s23;
	[tilespmem:s17+$0x180] =	vst v13;
	v13 =	vmul.f32 v15, v3  }
0xae: {  	s20 =	sand.u32 $0x70, s20;
	s19 =	sadd.s32 s19, s4;
	v16 =	vadd.f32 v16, v14;
	v14 =	vshra.s32 v20, $0xC;
	v19 =	vld.idx.msk [tilespmem:v31+s15+$0x0], $0xffff  }
0xaf: {  	s19 =	sadd.s32 s20, s19;
	v21 =	vmul.f32 v17, v2;
	v15 =	vmul.f32 v17, v15;
	v17 =	vld.idx.msk [tilespmem:v30+s15+$0x0], $0xffff;
	v22 =	vadd.f32 v13, v4  }
0xb0: {  	v18 =	vand.u32 $0xFFF, v20;
	v13 =	vld.idx.msk [tilespmem:v26+s22+$0x0 ss:$0x1], $0xffff;
	[tilespmem:s19+$0x0] =	vst v16  }
0xb1: {  	v20 =	vld.idx.msk [tilespmem:v12+s12+$0x0], $0xffff;
	v16 =	vadd.f32 v21, v22;
	v21 =	vmul.f32 v15, v1  }
0xb2: {  	v22 =	vld.idx.msk [tilespmem:v11+s12+$0x0], $0xffff  }
0xb3: {  	v15 =	vld.idx.msk [tilespmem:v28+s22+$0x0 ss:$0x1], $0xffff;
	v23 =	vmul.f32 v19, v36;
	v16 =	vadd.f32 v21, v16  }
0xb4: {  	v21 =	vld.idx.msk [tilespmem:v14+s11+$0x0], $0xffff;
	v25 =	vmul.f32 v17, v34  }
0xb5: {  	v17 =	vmul.f32 v17, v19;
	v19 =	vld.idx.msk [tilespmem:v18+s11+$0x0], $0xffff;
	v23 =	vadd.f32 v23, v35;
	[tilespmem:s18+$0x100] =	vst v16  }
0xb6: {  	v32 =	vmul.f32 v20, v10;
	v33 =	vld.idx.msk [tilespmem:v6+s14+$0x0], $0xffff  }
0xb7: {  	v17 =	vmul.f32 v17, v0;
	v16 =	vld.idx.msk [tilespmem:v27+s22+$0x0 ss:$0x1], $0xffff;
	v23 =	vadd.f32 v25, v23  }
0xb8: {  	v20 =	vmul.f32 v22, v20;
	v49 =	vld.idx.msk [tilespmem:v5+s14+$0x0], $0xffff;
	v25 =	vmul.f32 v22, v7;
	v22 =	vadd.f32 v32, v9  }
0xb9: {  	v23 =	vadd.f32 v17, v23;
	v17 =	vld.idx.msk [tilespmem:v29+s22+$0x0 ss:$0x1], $0xffff  }
0xba: {  	v20 =	vmul.f32 v20, v8;
	v22 =	vadd.f32 v25, v22;
	v25 =	vmul.f32 v19, v15  }
0xbb: {  	v19 =	vmul.f32 v21, v19;
	[tilespmem:s17+$0x200] =	vst v23;
	v38 =	vmul.f32 v33, v3  }
0xbc: {  	v23 =	vmul.f32 v21, v13;
	v20 =	vadd.f32 v20, v22;
	v21 =	vadd.f32 v25, v16;
	v37 =	vld.idx.msk [tilespmem:v31+s16+$0x0], $0xffff  }
0xbd: {  	v50 =	vmul.f32 v49, v2;
	v32 =	vmul.f32 v49, v33;
	v22 =	vld.idx.msk [tilespmem:v30+s16+$0x0], $0xffff;
	v25 =	vadd.f32 v38, v4  }
0xbe: {  	s24 =	simm.s32 $0x40;
	s0 =	simm.s32 $0x180;
	[tilespmem:s19+$0x80] =	vst v20;
	v20 =	vadd.f32 v23, v21;
	v19 =	vmul.f32 v19, v17  }
0xbf: {  	v51 =	vld.idx.msk [tilespmem:v24+s24+$0x0 ss:$0x1], $0xffff;
	s21 =	simm.s32 $0x30;
	s20 =	sand.u32 $0x1C00, s0;
	v21 =	vadd.f32 v50, v25;
	v25 =	vmul.f32 v32, v1  }
0xc0: {  	s21 =	sand.u32 $0x70, s21;
	s20 =	sadd.s32 s20, s4;
	v23 =	vld.idx.msk [tilespmem:v12+s13+$0x0], $0xffff;
	v19 =	vadd.f32 v19, v20  }
0xc1: {  	s20 =	sadd.s32 s21, s20;
	v52 =	vld.idx.msk [tilespmem:v11+s13+$0x0], $0xffff;
	v20 =	vmul.f32 v37, v36;
	v21 =	vadd.f32 v25, v21  }
0xc2: {  	v25 =	vmul.f32 v22, v34;
	[tilespmem:s20+$0x0] =	vst v19  }
0xc3: {  	v22 =	vmul.f32 v22, v37;
	v19 =	vld.idx.msk [tilespmem:v26+s24+$0x0 ss:$0x1], $0xffff;
	v20 =	vadd.f32 v20, v35;
	[tilespmem:s18+$0x180] =	vst v21  }
0xc4: {  	v21 =	vshra.s32 v51, $0xC;
	v54 =	vld.idx.msk [tilespmem:v6+s15+$0x0], $0xffff  }
0xc5: {  	v53 =	vmul.f32 v23, v10;
	v22 =	vmul.f32 v22, v0;
	v55 =	vld.idx.msk [tilespmem:v5+s15+$0x0], $0xffff;
	v20 =	vadd.f32 v25, v20  }
0xc6: {  	v39 =	vmul.f32 v52, v7;
	v25 =	vld.idx.msk [tilespmem:v18+s12+$0x0], $0xffff  }
0xc7: {  	v23 =	vmul.f32 v52, v23;
	v56 =	vld.idx.msk [tilespmem:v14+s12+$0x0], $0xffff;
	v37 =	vadd.f32 v53, v9;
	v40 =	vadd.f32 v22, v20  }
0xc8: {  	v22 =	vand.u32 $0xFFF, v51;
	v20 =	vld.idx.msk [tilespmem:v28+s24+$0x0 ss:$0x1], $0xffff  }
0xc9: {  	v23 =	vmul.f32 v23, v8;
	v37 =	vadd.f32 v39, v37;
	v41 =	vld.idx.msk [tilespmem:v21+s11+$0x0], $0xffff;
	[tilespmem:s17+$0x280] =	vst v40  }
0xca: {  	v58 =	vmul.f32 v54, v3;
	v57 =	vld.idx.msk [tilespmem:v31+s25+$0x0], $0xffff  }
0xcb: {  	v23 =	vadd.f32 v23, v37;
	v43 =	vmul.f32 v55, v2;
	v59 =	vmul.f32 v25, v15;
	v42 =	vld.idx.msk [tilespmem:v30+s25+$0x0], $0xffff  }
0xcc: {  	v32 =	vmul.f32 v55, v54;
	v33 =	vmul.f32 v56, v25;
	v25 =	vld.idx.msk [tilespmem:v27+s24+$0x0 ss:$0x1], $0xffff;
	v40 =	vadd.f32 v58, v4  }
0xcd: {  	v44 =	vmul.f32 v56, v13;
	[tilespmem:s19+$0x100] =	vst v23;
	v60 =	vld.idx.msk [tilespmem:v22+s11+$0x0], $0xffff;
	v23 =	vadd.f32 v59, v16  }
0xce: {  	v32 =	vmul.f32 v32, v1;
	v62 =	vld.idx.msk [tilespmem:v12+s14+$0x0], $0xffff;
	v61 =	vadd.f32 v43, v40  }
0xcf: {  	v33 =	vmul.f32 v33, v17;
	v48 =	vld.idx.msk [tilespmem:v11+s14+$0x0], $0xffff;
	v44 =	vadd.f32 v44, v23;
	v63 =	vmul.f32 v57, v36  }
0xd0: {  	v46 =	vmul.f32 v41, v19;
	v32 =	vadd.f32 v32, v61;
	v39 =	vmul.f32 v42, v57  }
0xd1: {  	s22 =	simm.s32 $0x50;
	v23 =	vld.idx.msk [tilespmem:v29+s24+$0x0 ss:$0x1], $0xffff;
	v45 =	vmul.f32 v42, v34;
	v50 =	vadd.f32 v33, v44;
	v43 =	vadd.f32 v63, v35  }
0xd2: {  	v44 =	vld.idx.msk [tilespmem:v24+s22+$0x0 ss:$0x1], $0xffff;
	v49 =	vmul.f32 v60, v20;
	[tilespmem:s18+$0x200] =	vst v32;
	v39 =	vmul.f32 v39, v0  }
0xd3: {  	v38 =	vmul.f32 v41, v60;
	v52 =	vmul.f32 v62, v10;
	v51 =	vld.idx.msk [tilespmem:v6+s16+$0x0], $0xffff;
	v43 =	vadd.f32 v45, v43  }
0xd4: {  	v55 =	vmul.f32 v48, v7;
	[tilespmem:s20+$0x80] =	vst v50;
	v53 =	vld.idx.msk [tilespmem:v5+s16+$0x0], $0xffff;
	v42 =	vadd.f32 v49, v25  }
0xd5: {  	v37 =	vmul.f32 v48, v62;
	v54 =	vld.idx.msk [tilespmem:v14+s13+$0x0], $0xffff;
	v41 =	vadd.f32 v52, v9;
	v39 =	vadd.f32 v39, v43  }
0xd6: {  	v38 =	vmul.f32 v38, v23;
	v57 =	vld.idx.msk [tilespmem:v18+s13+$0x0], $0xffff  }
0xd7: {  	v37 =	vmul.f32 v37, v8;
	v56 =	vadd.f32 v46, v42;
	v58 =	vadd.f32 v55, v41;
	[tilespmem:s17+$0x300] =	vst v39  }
0xd8: {  	s23 =	simm.s32 $0x200;
	v59 =	vmul.f32 v51, v3;
	v47 =	vld.idx.msk [tilespmem:v31+s26+$0x0], $0xffff  }
0xd9: {  	s21 =	sand.u32 $0x1C00, s23;
	s24 =	simm.s32 $0x40;
	v33 =	vld.idx.msk [tilespmem:v28+s22+$0x0 ss:$0x1], $0xffff;
	v38 =	vadd.f32 v38, v56;
	v37 =	vadd.f32 v37, v58  }
0xda: {  	s8 =	sadd.s32 s21, s4;
	s0 =	sand.u32 $0x70, s24;
	v62 =	vmul.f32 v53, v2;
	v32 =	vmul.f32 v53, v51;
	v60 =	vld.idx.msk [tilespmem:v30+s26+$0x0], $0xffff;
	v61 =	vadd.f32 v59, v4  }
0xdb: {  	s21 =	sadd.s32 s0, s8;
	v31 =	vld.idx.msk [tilespmem:v26+s22+$0x0 ss:$0x1], $0xffff;
	v30 =	vshra.s32 v44, $0xC;
	v63 =	vmul.f32 v57, v15;
	[tilespmem:s19+$0x180] =	vst v37  }
0xdc: {  	[tilespmem:s21+$0x0] =	vst v38;
	v48 =	vmul.f32 v32, v1;
	v37 =	vld.idx.msk [tilespmem:v12+s15+$0x0], $0xffff;
	v38 =	vadd.f32 v62, v61  }
0xdd: {  	v42 =	vmul.f32 v54, v13;
	v32 =	vand.u32 $0xFFF, v44;
	v41 =	vld.idx.msk [tilespmem:v22+s12+$0x0], $0xffff;
	v36 =	vmul.f32 v47, v36  }
0xde: {  	v45 =	vmul.f32 v54, v57;
	v44 =	vadd.f32 v63, v16;
	v40 =	vld.idx.msk [tilespmem:v11+s15+$0x0], $0xffff;
	v38 =	vadd.f32 v48, v38  }
0xdf: {  	s8 =	simm.s32 $0x180;
	v43 =	vld.idx.msk [tilespmem:v21+s12+$0x0], $0xffff;
	v34 =	vmul.f32 v60, v34;
	v35 =	vadd.f32 v36, v35;
	v36 =	vmul.f32 v60, v47  }
.LBB2_4:
0xe0: {  	p0 =	sne.s32 s8, $0xFC0;
	v46 =	vld.idx.msk [tilespmem:v30+s11+$0x0], $0xffff;
	v42 =	vadd.f32 v42, v44;
	v44 =	vmul.f32 v45, v17;
	[tilespmem:s18+$0x280] =	vst v38;
	v39 =	vmov v4  }
0xe1: {  	v4 =	vmovc v9;
	v9 =	vmov v16;
	v38 =	vld.idx.msk [tilespmem:v6+s25+$0x0], $0xffff;
	v34 =	vadd.f32 v34, v35;
	v35 =	vmul.f32 v36, v0  }
0xe2: {  	v16 =	vmovc v25;
	v0 =	vmov v1;
	v36 =	vld.idx.msk [tilespmem:v32+s11+$0x0], $0xffff;
	v42 =	vadd.f32 v44, v42;
	v44 =	vmul.f32 v37, v10  }
0xe3: {  	v1 =	vmovc v8;
	v8 =	vmov v17;
	v25 =	vmul.f32 v41, v20;
	v45 =	vld.idx.msk [tilespmem:v5+s25+$0x0], $0xffff;
	v47 =	vadd.f32 v35, v34  }
0xe4: {  	v37 =	vmul.f32 v40, v37;
	[tilespmem:s20+$0x100] =	vst v42;
	v35 =	vadd.f32 v44, v4;
	v42 =	vmul.f32 v40, v7  }
0xe5: {  	v17 =	vmovc v23;
	v40 =	vmul.f32 v43, v19;
	v41 =	vmul.f32 v43, v41;
	[tilespmem:s17+$0x380] =	vst v47;
	v34 =	vmov v2;
	s17 =	smov.u32 s18;
	s18 =	smov.u32 s19;
	s19 =	smov.u32 s20  }
0xe6: {  	v23 =	vadd.f32 v25, v16;
	v37 =	vmul.f32 v37, v1;
	s20 =	smov.u32 s21;
	v43 =	vld.idx.msk [tilespmem:v18+s14+$0x0], $0xffff;
	v35 =	vadd.f32 v42, v35  }
0xe7: {  	v2 =	vmovc v7;
	v7 =	vmovc v13;
	v13 =	vmov v19;
	v19 =	vmov v31;
	v42 =	vmul.f32 v38, v3;
	v25 =	vld.idx.msk [tilespmem:v27+s22+$0x0 ss:$0x1], $0xffff  }
0xe8: {  	v31 =	vadd.f32 v40, v23;
	v40 =	vmul.f32 v41, v17;
	v41 =	vld.idx.msk [tilespmem:v14+s14+$0x0], $0xffff;
	v47 =	vadd.f32 v37, v35  }
0xe9: {  	v37 =	vadd.f32 v42, v39;
	v42 =	vmul.f32 v45, v34;
	v38 =	vmul.f32 v45, v38;
	v23 =	vld.idx.msk [tilespmem:v29+s22+$0x0 ss:$0x1], $0xffff  }
0xea: {  	v44 =	vmul.f32 v36, v33;
	v45 =	vmul.f32 v46, v19;
	[tilespmem:s18+$0x200] =	vst v47;
	v35 =	vmovc v10;
	v10 =	vmov v15  }
0xeb: {  	v31 =	vadd.f32 v40, v31;
	s22 =	sshra.s32 s8, $0x2;
	v37 =	vadd.f32 v42, v37;
	v38 =	vmul.f32 v38, v0;
	v40 =	vld.idx.msk [tilespmem:v12+s16+$0x0], $0xffff  }
0xec: {  	v36 =	vmul.f32 v46, v36;
	v15 =	vmovc v20;
	v20 =	vmov v33;
	v46 =	vmul.f32 v43, v10;
	v42 =	vld.idx.msk [tilespmem:v24+s22+$0x0 ss:$0x1], $0xffff  }
0xed: {  	v33 =	vadd.f32 v44, v25;
	[tilespmem:s20+$0x80] =	vst v31;
	v44 =	vld.idx.msk [tilespmem:v11+s16+$0x0], $0xffff;
	v31 =	vadd.f32 v38, v37  }
0xee: {  	v37 =	vadd.f32 v46, v9;
	v46 =	vmul.f32 v41, v7;
	v41 =	vmul.f32 v41, v43;
	v38 =	vld.idx.msk [tilespmem:v21+s13+$0x0], $0xffff  }
0xef: {  	s23 =	sadd.s32 $0x80, s23;
	v33 =	vadd.f32 v45, v33;
	v36 =	vmul.f32 v36, v23;
	v43 =	vld.idx.msk [tilespmem:v22+s13+$0x0], $0xffff;
	[tilespmem:s17+$0x300] =	vst v31  }
0xf0: {  	s24 =	sadd.s32 $0x10, s24;
	s21 =	sand.u32 $0x1C00, s23;
	v37 =	vadd.f32 v46, v37;
	v41 =	vmul.f32 v41, v8;
	v46 =	vld.idx.msk [tilespmem:v6+s26+$0x0], $0xffff;
	v6 =	vmovc v12;
	v12 =	vmov v18  }
0xf1: {  	s0 =	sand.u32 $0x70, s24;
	s21 =	sadd.s32 s21, s4;
	v33 =	vadd.f32 v36, v33;
	v36 =	vmul.f32 v40, v35;
	v18 =	vmovc v22;
	v22 =	vmov v32;
	v31 =	vld.idx.msk [tilespmem:v26+s22+$0x0 ss:$0x1], $0xffff  }
0xf2: {  	s21 =	sadd.s32 s0, s21;
	v32 =	vadd.f32 v41, v37;
	v47 =	vld.idx.msk [tilespmem:v5+s26+$0x0], $0xffff;
	v5 =	vmovc v11;
	v11 =	vmovc v14;
	v14 =	vmov v21;
	v21 =	vmov v30  }
0xf3: {  	v36 =	vadd.f32 v36, v4;
	v41 =	vmul.f32 v44, v2;
	v40 =	vmul.f32 v44, v40;
	[tilespmem:s21+$0x0] =	vst v33  }
.Ltmp0:
0xf4: {  	v30 =	vshra.s32 v42, $0xC;
	v33 =	vld.idx.msk [tilespmem:v28+s22+$0x0 ss:$0x1], $0xffff;
	[tilespmem:s19+$0x180] =	vst v32;
	(pc) =	sbr.rel @p0 .LBB2_4-.Ltmp0, $4  }
0xf5: {  	v44 =	vmul.f32 v43, v15;
	v36 =	vadd.f32 v41, v36;
	v48 =	vmul.f32 v40, v1;
	v37 =	vld.idx.msk [tilespmem:v12+s15+$0x0], $0xffff  }
0xf6: {  	v32 =	vand.u32 $0xFFF, v42;
	v42 =	vmul.f32 v38, v13;
	v49 =	vmul.f32 v46, v3;
	v3 =	vmovc v35;
	v41 =	vld.idx.msk [tilespmem:v22+s12+$0x0], $0xffff  }
0xf7: {  	v45 =	vmul.f32 v38, v43;
	v44 =	vadd.f32 v44, v16;
	v38 =	vadd.f32 v48, v36;
	v40 =	vld.idx.msk [tilespmem:v11+s15+$0x0], $0xffff  }
0xf8: {  	s8 =	sadd.s32 $0x40, s8;
	v35 =	vadd.f32 v49, v39;
	v34 =	vmul.f32 v47, v34;
	v36 =	vmul.f32 v47, v46;
	v43 =	vld.idx.msk [tilespmem:v21+s12+$0x0], $0xffff  }
0xf9: {  	_ =	sdelay $0x3  }
0xfa: {  	v28 =	vld.idx.msk [tilespmem:v32+s11+$0x0], $0xffff  }
0xfb: {  	v39 =	vld.idx.msk [tilespmem:v30+s11+$0x0], $0xffff  }
0xfc: {  	v26 =	vld.idx.msk [tilespmem:v27+s22+$0x0 ss:$0x1], $0xffff;
	_ =	sdelay $0x1  }
0xfd: {  	v24 =	vld.idx.msk [tilespmem:v29+s22+$0x0 ss:$0x1], $0xffff  }
0xfe: {  	v63 =	vmul.f32 v28, v33;
	_ =	sdelay $0x1  }
0xff: {  	v46 =	vmul.f32 v39, v31;
	v28 =	vmul.f32 v39, v28;
	v27 =	vadd.f32 v63, v26;
	_ =	sdelay $0x1  }
0x100: {  	s0 =	sadd.s32 $0x80, s23;
	v28 =	vmul.f32 v28, v24;
	v27 =	vadd.f32 v46, v27  }
0x101: {  	s8 =	sadd.s32 $0x10, s24;
	s0 =	sand.u32 $0x1C00, s0  }
0x102: {  	s8 =	sand.u32 $0x70, s8;
	s0 =	sadd.s32 s0, s4;
	v27 =	vadd.f32 v28, v27  }
0x103: {  	s23 =	sadd.s32 s8, s0  }
0x104: {  	[tilespmem:s23+$0x0] =	vst v27  }
0x105: {  	v27 =	vld.idx.msk [tilespmem:v32+s12+$0x0], $0xffff;
	_ =	sdelay $0x1  }
0x106: {  	v48 =	vmul.f32 v41, v20;
	v47 =	vld.idx.msk [tilespmem:v30+s12+$0x0], $0xffff;
	_ =	sdelay $0x1  }
0x107: {  	v50 =	vmul.f32 v43, v41;
	v51 =	vmul.f32 v43, v19;
	v29 =	vadd.f32 v48, v25  }
0x108: {  	v49 =	vmul.f32 v27, v33  }
0x109: {  	v29 =	vadd.f32 v51, v29;
	v41 =	vmul.f32 v50, v23  }
0x10a: {  	v27 =	vmul.f32 v47, v27;
	v28 =	vmul.f32 v47, v31;
	v39 =	vadd.f32 v49, v26  }
0x10b: {  	v29 =	vadd.f32 v41, v29  }
0x10c: {  	v27 =	vmul.f32 v27, v24;
	v28 =	vadd.f32 v28, v39  }
0x10d: {  	[tilespmem:s21+$0x80] =	vst v29  }
0x10e: {  	v52 =	vld.idx.msk [tilespmem:v22+s13+$0x0], $0xffff;
	v27 =	vadd.f32 v27, v28  }
0x10f: {  	v29 =	vld.idx.msk [tilespmem:v21+s13+$0x0], $0xffff  }
0x110: {  	[tilespmem:s23+$0x80] =	vst v27  }
0x111: {  	v27 =	vld.idx.msk [tilespmem:v32+s13+$0x0], $0xffff;
	_ =	sdelay $0x1  }
0x112: {  	v53 =	vadd.f32 v42, v44;
	v54 =	vmul.f32 v45, v17;
	v56 =	vmul.f32 v52, v20;
	v55 =	vld.idx.msk [tilespmem:v30+s13+$0x0], $0xffff  }
0x113: {  	v58 =	vmul.f32 v29, v19  }
0x114: {  	v41 =	vadd.f32 v56, v25;
	v39 =	vadd.f32 v54, v53;
	v28 =	vmul.f32 v29, v52  }
0x115: {  	v57 =	vmul.f32 v27, v33  }
0x116: {  	[tilespmem:s20+$0x100] =	vst v39;
	v39 =	vadd.f32 v58, v41;
	v28 =	vmul.f32 v28, v23  }
0x117: {  	v59 =	vld.idx.msk [tilespmem:v18+s14+$0x0], $0xffff;
	v27 =	vmul.f32 v55, v27;
	v42 =	vmul.f32 v55, v31;
	v43 =	vadd.f32 v57, v26  }
0x118: {  	v28 =	vadd.f32 v28, v39  }
0x119: {  	v60 =	vld.idx.msk [tilespmem:v14+s14+$0x0], $0xffff;
	v27 =	vmul.f32 v27, v24;
	v42 =	vadd.f32 v42, v43  }
0x11a: {  	[tilespmem:s21+$0x100] =	vst v28  }
0x11b: {  	v28 =	vld.idx.msk [tilespmem:v22+s14+$0x0], $0xffff;
	v27 =	vadd.f32 v27, v42  }
0x11c: {  	v61 =	vmul.f32 v59, v15;
	v46 =	vld.idx.msk [tilespmem:v21+s14+$0x0], $0xffff  }
0x11d: {  	[tilespmem:s23+$0x100] =	vst v27  }
0x11e: {  	v63 =	vmul.f32 v60, v13;
	v29 =	vmul.f32 v60, v59;
	v62 =	vadd.f32 v61, v16;
	v45 =	vld.idx.msk [tilespmem:v32+s14+$0x0], $0xffff;
	_ =	sdelay $0x1  }
0x11f: {  	v29 =	vmul.f32 v29, v17;
	v48 =	vmul.f32 v28, v20;
	v27 =	vadd.f32 v63, v62;
	v47 =	vld.idx.msk [tilespmem:v30+s14+$0x0], $0xffff  }
0x120: {  	v51 =	vmul.f32 v46, v19  }
0x121: {  	v28 =	vmul.f32 v46, v28;
	v50 =	vadd.f32 v48, v25;
	v27 =	vadd.f32 v29, v27  }
0x122: {  	v49 =	vmul.f32 v45, v33  }
0x123: {  	v28 =	vmul.f32 v28, v23;
	[tilespmem:s20+$0x180] =	vst v27;
	v27 =	vadd.f32 v51, v50  }
0x124: {  	v52 =	vld.idx.msk [tilespmem:v18+s15+$0x0], $0xffff;
	v41 =	vmul.f32 v47, v45;
	v39 =	vmul.f32 v47, v31;
	v43 =	vadd.f32 v49, v26  }
0x125: {  	v27 =	vadd.f32 v28, v27  }
0x126: {  	v54 =	vld.idx.msk [tilespmem:v14+s15+$0x0], $0xffff;
	v41 =	vmul.f32 v41, v24;
	v39 =	vadd.f32 v39, v43  }
0x127: {  	[tilespmem:s21+$0x180] =	vst v27  }
0x128: {  	v53 =	vmul.f32 v37, v10;
	v60 =	vld.idx.msk [tilespmem:v22+s15+$0x0], $0xffff;
	v39 =	vadd.f32 v41, v39  }
0x129: {  	v46 =	vld.idx.msk [tilespmem:v21+s15+$0x0], $0xffff;
	v57 =	vmul.f32 v52, v15  }
0x12a: {  	v56 =	vmul.f32 v40, v37;
	v55 =	vmul.f32 v40, v7;
	v29 =	vadd.f32 v53, v9;
	[tilespmem:s23+$0x180] =	vst v39  }
0x12b: {  	v62 =	vmul.f32 v54, v13;
	v63 =	vmul.f32 v54, v52;
	v61 =	vadd.f32 v57, v16;
	v45 =	vld.idx.msk [tilespmem:v32+s15+$0x0], $0xffff  }
0x12c: {  	v59 =	vmul.f32 v56, v8;
	v58 =	vadd.f32 v55, v29  }
0x12d: {  	v48 =	vmul.f32 v63, v17;
	v47 =	vadd.f32 v62, v61;
	v51 =	vmul.f32 v60, v20;
	v49 =	vld.idx.msk [tilespmem:v30+s15+$0x0], $0xffff  }
0x12e: {  	v27 =	vadd.f32 v59, v58;
	v55 =	vmul.f32 v46, v19  }
0x12f: {  	v29 =	vmul.f32 v46, v60;
	v50 =	vadd.f32 v48, v47;
	v54 =	vadd.f32 v51, v25  }
0x130: {  	[tilespmem:s19+$0x200] =	vst v27;
	v53 =	vmul.f32 v45, v33  }
0x131: {  	v52 =	vld.idx.msk [tilespmem:v12+s16+$0x0], $0xffff;
	v59 =	vmul.f32 v29, v23;
	[tilespmem:s20+$0x200] =	vst v50;
	v27 =	vadd.f32 v55, v54  }
0x132: {  	v56 =	vld.idx.msk [tilespmem:v18+s16+$0x0], $0xffff;
	v57 =	vmul.f32 v49, v31;
	v39 =	vmul.f32 v49, v45;
	v40 =	vadd.f32 v53, v26  }
0x133: {  	v58 =	vld.idx.msk [tilespmem:v11+s16+$0x0], $0xffff;
	v27 =	vadd.f32 v59, v27  }
0x134: {  	v60 =	vld.idx.msk [tilespmem:v14+s16+$0x0], $0xffff;
	v39 =	vmul.f32 v39, v24;
	v40 =	vadd.f32 v57, v40  }
0x135: {  	[tilespmem:s21+$0x200] =	vst v27  }
0x136: {  	v61 =	vmul.f32 v52, v10;
	v46 =	vld.idx.msk [tilespmem:v22+s16+$0x0], $0xffff;
	v62 =	vadd.f32 v39, v40  }
0x137: {  	[tilespmem:s18+$0x280] =	vst v38;
	v50 =	vld.idx.msk [tilespmem:v21+s16+$0x0], $0xffff;
	v44 =	vmul.f32 v56, v15  }
0x138: {  	v37 =	vmul.f32 v58, v52;
	v63 =	vadd.f32 v61, v9;
	v45 =	vmul.f32 v58, v7;
	[tilespmem:s23+$0x200] =	vst v62  }
0x139: {  	v48 =	vmul.f32 v60, v13;
	v29 =	vmul.f32 v60, v56;
	v47 =	vadd.f32 v44, v16;
	v49 =	vld.idx.msk [tilespmem:v32+s16+$0x0], $0xffff  }
0x13a: {  	v38 =	vld.idx.msk [tilespmem:v6+s25+$0x0], $0xffff;
	v37 =	vmul.f32 v37, v8;
	v27 =	vadd.f32 v45, v63  }
0x13b: {  	v29 =	vmul.f32 v29, v17;
	v28 =	vadd.f32 v48, v47;
	v54 =	vmul.f32 v46, v20;
	v51 =	vld.idx.msk [tilespmem:v30+s16+$0x0], $0xffff  }
0x13c: {  	v52 =	vld.idx.msk [tilespmem:v5+s25+$0x0], $0xffff;
	v27 =	vadd.f32 v37, v27;
	v57 =	vmul.f32 v50, v19  }
0x13d: {  	v39 =	vmul.f32 v50, v46;
	v28 =	vadd.f32 v29, v28;
	v56 =	vadd.f32 v54, v25  }
0x13e: {  	[tilespmem:s19+$0x280] =	vst v27;
	v55 =	vmul.f32 v49, v33  }
0x13f: {  	v53 =	vmul.f32 v38, v3;
	v39 =	vmul.f32 v39, v23;
	[tilespmem:s20+$0x280] =	vst v28;
	v28 =	vadd.f32 v57, v56  }
0x140: {  	v58 =	vld.idx.msk [tilespmem:v12+s25+$0x0], $0xffff;
	v42 =	vmul.f32 v51, v49;
	v40 =	vmul.f32 v51, v31;
	v27 =	vadd.f32 v55, v26  }
0x141: {  	v43 =	vmul.f32 v52, v2;
	v38 =	vmul.f32 v52, v38;
	v59 =	vld.idx.msk [tilespmem:v18+s25+$0x0], $0xffff;
	v28 =	vadd.f32 v39, v28  }
0x142: {  	v37 =	vadd.f32 v53, v4;
	v60 =	vld.idx.msk [tilespmem:v11+s25+$0x0], $0xffff;
	v42 =	vmul.f32 v42, v24;
	v27 =	vadd.f32 v40, v27  }
0x143: {  	v61 =	vld.idx.msk [tilespmem:v14+s25+$0x0], $0xffff;
	[tilespmem:s21+$0x280] =	vst v28  }
0x144: {  	v38 =	vmul.f32 v38, v1;
	v37 =	vadd.f32 v43, v37;
	v46 =	vld.idx.msk [tilespmem:v22+s25+$0x0], $0xffff;
	v27 =	vadd.f32 v42, v27  }
0x145: {  	v62 =	vmul.f32 v58, v10  }
0x146: {  	v63 =	vadd.f32 v38, v37;
	v51 =	vld.idx.msk [tilespmem:v21+s25+$0x0], $0xffff;
	v45 =	vmul.f32 v59, v15;
	[tilespmem:s23+$0x280] =	vst v27  }
0x147: {  	v48 =	vmul.f32 v60, v7;
	v47 =	vadd.f32 v62, v9;
	v40 =	vmul.f32 v60, v58;
	v49 =	vld.idx.msk [tilespmem:v32+s25+$0x0], $0xffff  }
0x148: {  	v50 =	vmul.f32 v61, v13;
	v29 =	vmul.f32 v61, v59;
	v37 =	vadd.f32 v45, v16  }
0x149: {  	v40 =	vmul.f32 v40, v8;
	v54 =	vmul.f32 v46, v20;
	v52 =	vld.idx.msk [tilespmem:v30+s25+$0x0], $0xffff  }
0x14a: {  	v29 =	vmul.f32 v29, v17;
	v27 =	vadd.f32 v48, v47;
	v37 =	vadd.f32 v50, v37  }
0x14b: {  	[tilespmem:s18+$0x300] =	vst v63;
	v58 =	vmul.f32 v51, v19;
	v38 =	vmul.f32 v51, v46;
	v57 =	vadd.f32 v54, v25  }
0x14c: {  	v53 =	vld.idx.msk [tilespmem:v6+s26+$0x0], $0xffff;
	v27 =	vadd.f32 v40, v27;
	v55 =	vmul.f32 v49, v33  }
0x14d: {  	v56 =	vld.idx.msk [tilespmem:v5+s26+$0x0], $0xffff;
	v29 =	vadd.f32 v29, v37;
	v38 =	vmul.f32 v38, v23;
	v61 =	vadd.f32 v58, v57  }
0x14e: {  	[tilespmem:s19+$0x300] =	vst v27;
	v59 =	vmul.f32 v52, v31;
	v28 =	vmul.f32 v52, v49;
	v37 =	vadd.f32 v55, v26  }
0x14f: {  	v62 =	vld.idx.msk [tilespmem:v12+s26+$0x0], $0xffff;
	v38 =	vadd.f32 v38, v61  }
0x150: {  	[tilespmem:s20+$0x300] =	vst v29;
	v40 =	vld.idx.msk [tilespmem:v11+s26+$0x0], $0xffff;
	v28 =	vmul.f32 v28, v24;
	v63 =	vadd.f32 v59, v37  }
0x151: {  	v60 =	vmul.f32 v53, v3;
	v43 =	vld.idx.msk [tilespmem:v14+s26+$0x0], $0xffff;
	[tilespmem:s21+$0x300] =	vst v38  }
0x152: {  	v45 =	vld.idx.msk [tilespmem:v22+s26+$0x0], $0xffff;
	v41 =	vadd.f32 v28, v63  }
0x153: {  	v39 =	vmul.f32 v56, v2;
	v5 =	vmul.f32 v56, v53;
	v3 =	vadd.f32 v60, v4;
	v49 =	vld.idx.msk [tilespmem:v21+s26+$0x0], $0xffff  }
0x154: {  	v0 =	vmul.f32 v36, v0;
	v42 =	vadd.f32 v34, v35;
	v37 =	vld.idx.msk [tilespmem:v18+s26+$0x0], $0xffff;
	[tilespmem:s23+$0x300] =	vst v41  }
0x155: {  	v44 =	vmul.f32 v5, v1;
	v2 =	vadd.f32 v39, v3;
	v46 =	vmul.f32 v62, v10;
	v47 =	vld.idx.msk [tilespmem:v32+s26+$0x0], $0xffff  }
0x156: {  	v0 =	vadd.f32 v0, v42;
	v50 =	vmul.f32 v40, v7;
	v6 =	vmul.f32 v40, v62  }
0x157: {  	v1 =	vadd.f32 v44, v2;
	v52 =	vmul.f32 v43, v13;
	v53 =	vmul.f32 v45, v20;
	v51 =	vld.idx.msk [tilespmem:v30+s26+$0x0], $0xffff  }
0x158: {  	v5 =	vadd.f32 v46, v9;
	v6 =	vmul.f32 v6, v8;
	v55 =	vmul.f32 v49, v19  }
0x159: {  	v3 =	vmul.f32 v49, v45;
	v48 =	vmul.f32 v37, v15;
	v7 =	vadd.f32 v53, v25  }
0x15a: {  	v5 =	vadd.f32 v50, v5;
	v4 =	vmul.f32 v43, v37;
	v54 =	vmul.f32 v47, v33  }
0x15b: {  	v3 =	vmul.f32 v3, v23;
	v2 =	vadd.f32 v48, v16;
	v58 =	vadd.f32 v55, v7  }
0x15c: {  	v56 =	vmul.f32 v51, v31;
	v9 =	vmul.f32 v51, v47;
	v8 =	vadd.f32 v54, v26  }
0x15d: {  	s24 =	sadd.s32 s10, s6;
	s6 =	sadd.s32 $0x1, s6;
	[tilespmem:s17+$0x380] =	vst v0;
	v57 =	vadd.f32 v6, v5;
	v4 =	vmul.f32 v4, v17;
	v2 =	vadd.f32 v52, v2  }
0x15e: {  	p0 =	sne.s32 s6, $0x8;
	[tilespmem:s18+$0x380] =	vst v1;
	v62 =	vadd.f32 v3, v58;
	v61 =	vmul.f32 v9, v24;
	v60 =	vadd.f32 v56, v8  }
.Ltmp1:
0x15f: {  	[tilespmem:s19+$0x380] =	vst v57;
	v59 =	vadd.f32 v4, v2;
	(pc) =	sbr.rel @p0 .LBB2_3-.Ltmp1, $4  }
0x160: {  	s30 =	sor.u32 $0x2, s30;
	s1 =	sadd.s32 $0x400, s1;
	[tilespmem:s21+$0x380] =	vst v62;
	v63 =	vadd.f32 v61, v60  }
0x161: {  	s5 =	sadd.s32 $0x400, s5;
	s31 =	sadd.s32 $0x400, s31;
	s0 =	sshll.u32 s24, $0xA;
	[tilespmem:s20+$0x380] =	vst v59  }
0x162: {  	s29 =	sadd.s32 $0x400, s29;
	s28 =	sadd.s32 $0x400, s28;
	s0 =	sadd.s32 s2, s0;
	[tilespmem:s23+$0x380] =	vst v63  }
0x163: {  	[hbm4b:s0+s3] =	stream.linear.scatter [tilespmem:s4], [sflag:s30], $0x2000, $0x38;
	[tilespmem:$0x1E000] =	vst v63  }
0x164: {  	s5 =	rddreg [dreg:$0x1c]  }
0x165: {  	s5 =	sadd.s32 $0x1, s5  }
0x166: {  	p0 =	sne.s32 s5, $0x8  }
.Ltmp2:
0x167: {  	_ = 	snop;
	(pc) =	sbr.rel @p0 .LBB2_2-.Ltmp2, $1  }
0x168: {  	_ =	sdelay $0x3  }
0x169: {  	s0 =	simm.s32 $0x2  }
0x16a: {  	_ =	swait.ge [sflag:s0], $0x2000  }
0x16b: {  	[sflag:s0] =	ssyncset.done $0x0  }
0x16c: {  	s1 =	simm.s32 $0x3;
	[sflag:s0] =	ssyncadd.s32 $0xFFFFE000  }
0x16d: {  	_ =	swait.ge [sflag:s1], $0x2000  }
0x16e: {  	s4 =	rddreg [dreg:$0x1b]  }
0x16f: {  	s31 =	rddreg [dreg:$0x19];
	s4 =	sadd.s32 $0x1, s4  }
0x170: {  	p0 =	sne.s32 s4, s31  }
.Ltmp3:
0x171: {  	_ = 	snop;
	(pc) =	sbr.rel @p0 .LBB2_1-.Ltmp3, $3  }
0x172: {  	_ =	sdelay $0x1  }
0x173: {  	[sflag:s1] =	ssyncset.done $0x0  }
0x174: {  	[sflag:s1] =	ssyncadd.s32 $0xFFFFE000  }
0x175: {  	_ =	sfence.sel $0x180000  }
0x176: {  	[bflag:$0x0] =	sbarrier.arrive $0xFFFF  }
0x177: {  	_ =	strace $0x90000047  }
0x178: {  	s0 =	stileid.u32;
	[bflag:$0x2] =	sbarrier.arrive $0xFFFF  }
0x179: {  	p0 =	sne.s32 s0, $0x0;
	s0 =	rddreg [dreg:$0x3]  }
0x17a: {  	s0 =	sadd.s32 @!p0 $0x100000, s0  }
0x17b: {  	[sflag:s0] =	ssyncadd.tile.s32 @!p0 $0x1;
	_ =	shalt  }
.Lfunc_end2:
_tile_overlayer_lowered:
.L_overlay_start_2:
0x17c: {  	(tag) =	ssettag $0x2  }
0x17d: {  	s0 =	rddreg [dreg:$0x0];
	s2 =	stileid.u32  }
0x17e: {  	s1 =	rddreg [dreg:$0x1];
	p0 =	sne.s32 s2, $0x0  }
0x17f: {  	s3 =	rddreg [dreg:$0x2];
	[bflag:$0x3] =	sbarrier.arrive $0xFFFF;
	s2 =	simm.s32 @!p0 $0x1C04  }
0x180: {  	[timem:s3], [sflag:s2] =	dma.local @!p0 [hbm:s0], s1  }
0x181: {  	s0 =	simm.s32 @!p0 $0x4  }
0x182: {  	_ =	swait.ge @!p0 [sflag:s0], s1  }
0x183: {  	s1 =	ssub.s32 @!p0 $0x0, s1;
	[sflag:s0] =	ssyncset.done @!p0 $0x0  }
0x184: {  	[sflag:s0] =	ssyncadd.s32 @!p0 s1  }
0x185: {  	[bflag:$0x3] =	sbarrier.arrive $0xFFFF  }
0x186: {  	_ =	shalt  }

</sc_bundles>
